<compile_context>
chip_gen: v7x
topology: tpu7x:2x2x1
jax: 0.10.2.dev20260603
libtpu: 0.0.44.dev20260713+nightly
codegen_flags: <defaults>
</compile_context>

<pallas_src>
import functools

import jax
import jax.numpy as jnp
from jax import lax
from jax.experimental import pallas as pl
from jax.experimental.pallas import tpu as pltpu
from jax.experimental.pallas import tpu_sc as plsc

_N_ITEMS = 1024
_N_SAMPLES = 65536
_BATCH = 64

_L = 16
_NC, _NS = 2, 16
_NW = _NC * _NS
_B_PER_W = _BATCH // _NW
_WC = 16384
_NCH = _N_SAMPLES // _WC
_DEPTH = 7
_SEL_CHUNKS = _N_ITEMS // _L


def _argmax_rows(sel_ref, rows):
    offs = lax.iota(jnp.int32, _L)

    def step(c, carry):
        out = []
        for r, (maxv, idxv) in zip(rows, carry):
            vals = sel_ref[r, pl.ds(c * _L, _L)]
            take = vals > maxv
            out.append((jnp.where(take, vals, maxv),
                        jnp.where(take, c * _L + offs, idxv)))
        return tuple(out)

    init = tuple(
        (jnp.full((_L,), -jnp.inf, jnp.float32), jnp.zeros((_L,), jnp.int32))
        for _ in rows
    )
    carry = lax.fori_loop(0, _SEL_CHUNKS, step, init)
    dnums = lax.GatherDimensionNumbers(
        offset_dims=(), collapsed_slice_dims=(0,), start_index_map=(0,)
    )
    shuf = lambda v, perm: lax.gather(
        v, perm[:, None], dnums, (1,),
        mode=lax.GatherScatterMode.PROMISE_IN_BOUNDS,
    )
    results = []
    for maxv, idxv in carry:
        for k in (1, 2, 4, 8):
            perm = offs ^ k
            ov = shuf(maxv, perm)
            oi = shuf(idxv, perm)
            take = (ov > maxv) | ((ov == maxv) & (oi < idxv))
            maxv = jnp.where(take, ov, maxv)
            idxv = jnp.where(take, oi, idxv)
        results.append(idxv)
    return results


def _body(sel_hbm, items_hbm, out_hbm, sel_v, idx_v, rows_v, gsem, ssem):
    wid = lax.axis_index("s") * _NC + lax.axis_index("c")
    b_al = (wid // 4) * 8

    pltpu.sync_copy(sel_hbm.at[pl.ds(b_al, 8)], sel_v)

    row0 = wid * _B_PER_W
    for j, idx in enumerate(_argmax_rows(sel_v, [row0 - b_al, row0 - b_al + 1])):
        idx_v[j] = idx

    pieces = [(j, c) for j in range(_B_PER_W) for c in range(_NCH)]
    n = len(pieces)

    def gather(g, buf):
        j, c = pieces[g]
        return pltpu.async_copy(
            items_hbm.at[idx_v.at[j, pl.ds(0, 1)], pl.ds(c * _WC, _WC)],
            rows_v.at[buf],
            gsem.at[buf],
        )

    def scatter(g, buf):
        j, c = pieces[g]
        return pltpu.async_copy(
            rows_v.at[buf],
            out_hbm.at[pl.ds(row0 + j, 1), pl.ds(c * _WC, _WC)],
            ssem.at[buf],
        )

    gath = {}
    scats = {}
    depth = _DEPTH
    for g in range(min(depth, n)):
        gath[g] = gather(g, g % depth)
    for g in range(n):
        buf = g % depth
        gath[g].wait()
        scats[g] = scatter(g, buf)
        nxt = g + depth
        if nxt < n:
            if nxt - depth in scats:
                scats[nxt - depth].wait()
                del scats[nxt - depth]
            gath[nxt] = gather(nxt, nxt % depth)
    for g in sorted(scats):
        scats[g].wait()


@jax.jit
def kernel(selections, items):
    call = functools.partial(
        pl.kernel,
        out_type=jax.ShapeDtypeStruct((_BATCH, _N_SAMPLES), jnp.float32),
        mesh=plsc.VectorSubcoreMesh(core_axis_name="c", subcore_axis_name="s"),
        compiler_params=pltpu.CompilerParams(use_tc_tiling_on_sc=True),
        scratch_types=[
            pltpu.VMEM((8, _N_ITEMS), jnp.float32),
            pltpu.VMEM((_B_PER_W, _L), jnp.int32),
            pltpu.VMEM((_DEPTH, 1, _WC), jnp.float32),
            pltpu.SemaphoreType.DMA((_DEPTH,)),
            pltpu.SemaphoreType.DMA((_DEPTH,)),
        ],
    )(_body)
    return call(selections, items)

# --- scband reference (transcript-rebuilt; emitter-appended) ---
"""Pipeline reference for scband-lookup-12936441495774 (READ-ONLY COPY).

The authoritative reference and input builder live on the scoring server;
editing this copy changes nothing except your own understanding.
"""

import jax, jax.numpy as jnp
import numpy as np

N_ITEMS = 1024
N_SAMPLES = 65536
BATCH = 64


def sparse_softmax(x):
    # straight-through sparse softmax: hard one-hot forward, soft gradient
    soft = jax.nn.softmax(x, axis=-1)
    idx = jnp.argmax(x, axis=-1)
    hard = jax.nn.one_hot(idx, x.shape[-1], dtype=x.dtype)
    return soft + jax.lax.stop_gradient(hard - soft)


def setup_inputs(seed: int = 0) -> dict:
    key = jax.random.key(seed)
    k1, k2 = jax.random.split(key)
    selections = jax.random.normal(k1, (BATCH, N_ITEMS), dtype=jnp.float32)
    # learned lookup table, initialized uniform(-0.02, 0.02) as in the torch module
    items = jax.random.uniform(k2, (N_ITEMS, N_SAMPLES), minval=-0.02, maxval=0.02, dtype=jnp.float32)
    return {"selections": selections, "items": items}


def reference(selections, items):
    # preprocess_items is identity; select_items with type='sparse_softmax'
    sel = sparse_softmax(selections)
    selected = sel @ items  # effectively a (differentiable) row gather from the table
    # postprocess_results is identity
    return selected

if __name__ == "__main__":
    import jax
    _d = setup_inputs()
    print(jax.jit(kernel)(*tuple(_d.values())))

</pallas_src>

<mosaic_0001>
#map = affine_map<(d0, d1) -> (0, 0)>
module attributes {stable_mosaic.version = 14 : i64} {
  func.func @_body(%arg0: i32, %arg1: i32, %arg2: memref<64x1024xf32, #tpu.memory_space<hbm>>, %arg3: memref<1024x65536xf32, #tpu.memory_space<hbm>>, %arg4: memref<64x65536xf32, #tpu.memory_space<hbm>>, %arg5: memref<8x1024xf32, #tpu.memory_space<vmem>>, %arg6: memref<2x16xi32, #tpu.memory_space<vmem>>, %arg7: memref<7x1x16384xf32, #tpu.memory_space<vmem>>, %arg8: memref<7x!tpu.dma_semaphore, #tpu.memory_space<semaphore_mem>>, %arg9: memref<7x!tpu.dma_semaphore, #tpu.memory_space<semaphore_mem>>) attributes {dimension_semantics = [#tpu.dimension_semantics<core_parallel>, #tpu.dimension_semantics<subcore_parallel>], iteration_bounds = array<i64: 2, 16>, scalar_prefetch = 0 : i64, scratch_operands = 5 : i64, tpu.core_type = #tpu.core_type<sc_vector_subcore>, window_params = [{transform_indices = #map}, {transform_indices = #map}, {transform_indices = #map}]} {
    %mul3A = arith.constant 2 : i32
    %mul3A_0 = arith.muli %arg1, %mul3A : i32
    %add3A = arith.addi %mul3A_0, %arg0 : i32
    %jit3A = arith.constant 4 : i32
    %div3A = arith.divsi %add3A, %jit3A : i32
    %sign3A = arith.constant 0 : i32
    %sign3A_1 = arith.cmpi sgt, %add3A, %sign3A : i32
    %sign3A_2 = arith.extui %sign3A_1 : i1 to i32
    %sign3A_3 = arith.constant 0 : i32
    %sign3A_4 = arith.cmpi slt, %add3A, %sign3A_3 : i32
    %sign3A_5 = arith.extui %sign3A_4 : i1 to i32
    %sign3A_6 = arith.subi %sign3A_2, %sign3A_5 : i32
    %sign3A_7 = arith.constant 0 : i32
    %sign3A_8 = arith.cmpi sgt, %jit3A, %sign3A_7 : i32
    %sign3A_9 = arith.extui %sign3A_8 : i1 to i32
    %sign3A_10 = arith.constant 0 : i32
    %sign3A_11 = arith.cmpi slt, %jit3A, %sign3A_10 : i32
    %sign3A_12 = arith.extui %sign3A_11 : i1 to i32
    %sign3A_13 = arith.subi %sign3A_9, %sign3A_12 : i32
    %ne3A = arith.cmpi ne, %sign3A_6, %sign3A_13 : i32
    %rem3A = arith.remsi %add3A, %jit3A : i32
    %ne3A_14 = arith.constant 0 : i32
    %ne3A_15 = arith.cmpi ne, %rem3A, %ne3A_14 : i32
    %and3A = arith.andi %ne3A, %ne3A_15 : i1
    %sub3A = arith.constant 1 : i32
    %sub3A_16 = arith.subi %div3A, %sub3A : i32
    %select_n3A = arith.select %and3A, %sub3A_16, %div3A : i32
    %mul3A_17 = arith.constant 8 : i32
    %mul3A_18 = arith.muli %select_n3A, %mul3A_17 : i32
    "tpu.region"() ({
      %run_scoped3A = tpu.sem_alloc : memref<!tpu.dma_semaphore, #tpu.memory_space<semaphore_mem>>
      %dma_start3A_680 = arith.constant 0 : i32
      %dma_start3A_681 = tpu.memref_slice %arg2[%mul3A_18, %dma_start3A_680] : memref<64x1024xf32, #tpu.memory_space<hbm>> -> memref<8x1024xf32, #tpu.memory_space<hbm>>
      %dma_start3A_682 = arith.constant 0 : i32
      %dma_start3A_683 = tpu.memref_slice %arg2[%mul3A_18, %dma_start3A_682] : memref<64x1024xf32, #tpu.memory_space<hbm>> -> memref<8x1024xf32, #tpu.memory_space<hbm>>
      tpu.enqueue_dma source(%dma_start3A_683 : memref<8x1024xf32, #tpu.memory_space<hbm>>) target(%arg5 : memref<8x1024xf32, #tpu.memory_space<vmem>>) target_semaphore(%run_scoped3A : memref<!tpu.dma_semaphore, #tpu.memory_space<semaphore_mem>>)
      %dma_wait3A_684 = arith.constant 0 : i32
      %dma_wait3A_685 = tpu.memref_slice %arg2[%mul3A_18, %dma_wait3A_684] : memref<64x1024xf32, #tpu.memory_space<hbm>> -> memref<8x1024xf32, #tpu.memory_space<hbm>>
      %dma_wait3A_686 = arith.constant 0 : i32
      %dma_wait3A_687 = tpu.memref_slice %arg2[%mul3A_18, %dma_wait3A_686] : memref<64x1024xf32, #tpu.memory_space<hbm>> -> memref<8x1024xf32, #tpu.memory_space<hbm>>
      tpu.wait_dma2 semaphore(%run_scoped3A : memref<!tpu.dma_semaphore, #tpu.memory_space<semaphore_mem>>) src(%dma_wait3A_687 : memref<8x1024xf32, #tpu.memory_space<hbm>>) dst(%arg5 : memref<8x1024xf32, #tpu.memory_space<vmem>>)
      tpu.yield
    }) : () -> ()
    %mul3A_19 = arith.constant 2 : i32
    %mul3A_20 = arith.muli %add3A, %mul3A_19 : i32
    %sub3A_21 = arith.subi %mul3A_20, %mul3A_18 : i32
    %sub3A_22 = arith.subi %mul3A_20, %mul3A_18 : i32
    %add3A_23 = arith.constant 1 : i32
    %add3A_24 = arith.addi %sub3A_22, %add3A_23 : i32
    %iota3A = tpu.iota {dimensions = array<i32: 0>} : vector<16xi32>
    %broadcast_in_dim3A = arith.constant 0xFF800000 : f32
    %broadcast_in_dim3A_25 = vector.broadcast %broadcast_in_dim3A : f32 to vector<16xf32>
    %broadcast_in_dim3A_26 = arith.constant 0 : i32
    %broadcast_in_dim3A_27 = vector.broadcast %broadcast_in_dim3A_26 : i32 to vector<16xi32>
    %broadcast_in_dim3A_28 = arith.constant 0xFF800000 : f32
    %broadcast_in_dim3A_29 = vector.broadcast %broadcast_in_dim3A_28 : f32 to vector<16xf32>
    %broadcast_in_dim3A_30 = arith.constant 0 : i32
    %broadcast_in_dim3A_31 = vector.broadcast %broadcast_in_dim3A_30 : i32 to vector<16xi32>
    %scan3A = arith.constant 0 : i32
    %scan3A_32 = arith.constant 64 : i32
    %scan3A_33 = arith.addi %scan3A, %scan3A_32 : i32
    %scan3A_34 = arith.constant 1 : i32
    %scan3A_35:4 = scf.for %scan3A_680 = %scan3A to %scan3A_33 step %scan3A_34 iter_args(%scan3A_681 = %broadcast_in_dim3A_25, %scan3A_682 = %broadcast_in_dim3A_27, %scan3A_683 = %broadcast_in_dim3A_29, %scan3A_684 = %broadcast_in_dim3A_31) -> (vector<16xf32>, vector<16xi32>, vector<16xf32>, vector<16xi32>)  : i32 {
      %mul3A_685 = arith.constant 16 : i32
      %mul3A_686 = arith.muli %scan3A_680, %mul3A_685 : i32
      %get3A = arith.index_cast %sub3A_21 : i32 to index
      %get3A_687 = arith.index_cast %mul3A_686 : i32 to index
      %get3A_688 = tpu.vector_load %arg5[%get3A, %get3A_687] {strides = array<i32>} : memref<8x1024xf32, #tpu.memory_space<vmem>>, vector<1x16xf32>,
      %get3A_689 = vector.shape_cast %get3A_688 : vector<1x16xf32> to vector<16xf32>
      %gt3A_690 = arith.cmpf ogt, %get3A_689, %scan3A_681 : vector<16xf32>
      %select_n3A_691 = arith.select %gt3A_690, %get3A_689, %scan3A_681 : vector<16xi1>, vector<16xf32>
      %mul3A_692 = arith.constant 16 : i32
      %mul3A_693 = arith.muli %scan3A_680, %mul3A_692 : i32
      %add3A_694 = vector.broadcast %mul3A_693 : i32 to vector<16xi32>
      %add3A_695 = arith.addi %add3A_694, %iota3A : vector<16xi32>
      %select_n3A_696 = arith.select %gt3A_690, %add3A_695, %scan3A_682 : vector<16xi1>, vector<16xi32>
      %mul3A_697 = arith.constant 16 : i32
      %mul3A_698 = arith.muli %scan3A_680, %mul3A_697 : i32
      %get3A_699 = arith.index_cast %add3A_24 : i32 to index
      %get3A_700 = arith.index_cast %mul3A_698 : i32 to index
      %get3A_701 = tpu.vector_load %arg5[%get3A_699, %get3A_700] {strides = array<i32>} : memref<8x1024xf32, #tpu.memory_space<vmem>>, vector<1x16xf32>,
      %get3A_702 = vector.shape_cast %get3A_701 : vector<1x16xf32> to vector<16xf32>
      %gt3A_703 = arith.cmpf ogt, %get3A_702, %scan3A_683 : vector<16xf32>
      %select_n3A_704 = arith.select %gt3A_703, %get3A_702, %scan3A_683 : vector<16xi1>, vector<16xf32>
      %mul3A_705 = arith.constant 16 : i32
      %mul3A_706 = arith.muli %scan3A_680, %mul3A_705 : i32
      %add3A_707 = vector.broadcast %mul3A_706 : i32 to vector<16xi32>
      %add3A_708 = arith.addi %add3A_707, %iota3A : vector<16xi32>
      %select_n3A_709 = arith.select %gt3A_703, %add3A_708, %scan3A_684 : vector<16xi1>, vector<16xi32>
      scf.yield %select_n3A_691, %select_n3A_696, %select_n3A_704, %select_n3A_709 : vector<16xf32>, vector<16xi32>, vector<16xf32>, vector<16xi32>
    }
    %scan3A_36 = arith.constant 64 : i32
    %xor3A = arith.constant 1 : i32
    %xor3A_37 = vector.broadcast %xor3A : i32 to vector<16xi32>
    %xor3A_38 = arith.xori %iota3A, %xor3A_37 : vector<16xi32>
    %broadcast_in_dim3A_39 = vector.shape_cast %xor3A_38 : vector<16xi32> to vector<16x1xi32>
    %gather3A = vector.shape_cast %broadcast_in_dim3A_39 : vector<16x1xi32> to vector<16xi32>
    %gather3A_40 = tpu.dynamic_gather %scan3A_35#0[%gather3A] in [0] : vector<16xf32>, vector<16xi32> -> vector<16xf32>
    %broadcast_in_dim3A_41 = vector.shape_cast %xor3A_38 : vector<16xi32> to vector<16x1xi32>
    %gather3A_42 = vector.shape_cast %broadcast_in_dim3A_41 : vector<16x1xi32> to vector<16xi32>
    %gather3A_43 = tpu.dynamic_gather %scan3A_35#1[%gather3A_42] in [0] : vector<16xi32>, vector<16xi32> -> vector<16xi32>
    %gt3A = arith.cmpf ogt, %gather3A_40, %scan3A_35#0 : vector<16xf32>
    %eq3A = arith.cmpf oeq, %gather3A_40, %scan3A_35#0 : vector<16xf32>
    %lt3A = arith.cmpi slt, %gather3A_43, %scan3A_35#1 : vector<16xi32>
    %and3A_44 = arith.andi %eq3A, %lt3A : vector<16xi1>
    %or3A = arith.ori %gt3A, %and3A_44 : vector<16xi1>
    %select_n3A_45 = arith.select %or3A, %gather3A_40, %scan3A_35#0 : vector<16xi1>, vector<16xf32>
    %select_n3A_46 = arith.select %or3A, %gather3A_43, %scan3A_35#1 : vector<16xi1>, vector<16xi32>
    %xor3A_47 = arith.constant 2 : i32
    %xor3A_48 = vector.broadcast %xor3A_47 : i32 to vector<16xi32>
    %xor3A_49 = arith.xori %iota3A, %xor3A_48 : vector<16xi32>
    %broadcast_in_dim3A_50 = vector.shape_cast %xor3A_49 : vector<16xi32> to vector<16x1xi32>
    %gather3A_51 = vector.shape_cast %broadcast_in_dim3A_50 : vector<16x1xi32> to vector<16xi32>
    %gather3A_52 = tpu.dynamic_gather %select_n3A_45[%gather3A_51] in [0] : vector<16xf32>, vector<16xi32> -> vector<16xf32>
    %broadcast_in_dim3A_53 = vector.shape_cast %xor3A_49 : vector<16xi32> to vector<16x1xi32>
    %gather3A_54 = vector.shape_cast %broadcast_in_dim3A_53 : vector<16x1xi32> to vector<16xi32>
    %gather3A_55 = tpu.dynamic_gather %select_n3A_46[%gather3A_54] in [0] : vector<16xi32>, vector<16xi32> -> vector<16xi32>
    %gt3A_56 = arith.cmpf ogt, %gather3A_52, %select_n3A_45 : vector<16xf32>
    %eq3A_57 = arith.cmpf oeq, %gather3A_52, %select_n3A_45 : vector<16xf32>
    %lt3A_58 = arith.cmpi slt, %gather3A_55, %select_n3A_46 : vector<16xi32>
    %and3A_59 = arith.andi %eq3A_57, %lt3A_58 : vector<16xi1>
    %or3A_60 = arith.ori %gt3A_56, %and3A_59 : vector<16xi1>
    %select_n3A_61 = arith.select %or3A_60, %gather3A_52, %select_n3A_45 : vector<16xi1>, vector<16xf32>
    %select_n3A_62 = arith.select %or3A_60, %gather3A_55, %select_n3A_46 : vector<16xi1>, vector<16xi32>
    %xor3A_63 = arith.constant 4 : i32
    %xor3A_64 = vector.broadcast %xor3A_63 : i32 to vector<16xi32>
    %xor3A_65 = arith.xori %iota3A, %xor3A_64 : vector<16xi32>
    %broadcast_in_dim3A_66 = vector.shape_cast %xor3A_65 : vector<16xi32> to vector<16x1xi32>
    %gather3A_67 = vector.shape_cast %broadcast_in_dim3A_66 : vector<16x1xi32> to vector<16xi32>
    %gather3A_68 = tpu.dynamic_gather %select_n3A_61[%gather3A_67] in [0] : vector<16xf32>, vector<16xi32> -> vector<16xf32>
    %broadcast_in_dim3A_69 = vector.shape_cast %xor3A_65 : vector<16xi32> to vector<16x1xi32>
    %gather3A_70 = vector.shape_cast %broadcast_in_dim3A_69 : vector<16x1xi32> to vector<16xi32>
    %gather3A_71 = tpu.dynamic_gather %select_n3A_62[%gather3A_70] in [0] : vector<16xi32>, vector<16xi32> -> vector<16xi32>
    %gt3A_72 = arith.cmpf ogt, %gather3A_68, %select_n3A_61 : vector<16xf32>
    %eq3A_73 = arith.cmpf oeq, %gather3A_68, %select_n3A_61 : vector<16xf32>
    %lt3A_74 = arith.cmpi slt, %gather3A_71, %select_n3A_62 : vector<16xi32>
    %and3A_75 = arith.andi %eq3A_73, %lt3A_74 : vector<16xi1>
    %or3A_76 = arith.ori %gt3A_72, %and3A_75 : vector<16xi1>
    %select_n3A_77 = arith.select %or3A_76, %gather3A_68, %select_n3A_61 : vector<16xi1>, vector<16xf32>
    %select_n3A_78 = arith.select %or3A_76, %gather3A_71, %select_n3A_62 : vector<16xi1>, vector<16xi32>
    %xor3A_79 = arith.constant 8 : i32
    %xor3A_80 = vector.broadcast %xor3A_79 : i32 to vector<16xi32>
    %xor3A_81 = arith.xori %iota3A, %xor3A_80 : vector<16xi32>
    %broadcast_in_dim3A_82 = vector.shape_cast %xor3A_81 : vector<16xi32> to vector<16x1xi32>
    %gather3A_83 = vector.shape_cast %broadcast_in_dim3A_82 : vector<16x1xi32> to vector<16xi32>
    %gather3A_84 = tpu.dynamic_gather %select_n3A_77[%gather3A_83] in [0] : vector<16xf32>, vector<16xi32> -> vector<16xf32>
    %broadcast_in_dim3A_85 = vector.shape_cast %xor3A_81 : vector<16xi32> to vector<16x1xi32>
    %gather3A_86 = vector.shape_cast %broadcast_in_dim3A_85 : vector<16x1xi32> to vector<16xi32>
    %gather3A_87 = tpu.dynamic_gather %select_n3A_78[%gather3A_86] in [0] : vector<16xi32>, vector<16xi32> -> vector<16xi32>
    %gt3A_88 = arith.cmpf ogt, %gather3A_84, %select_n3A_77 : vector<16xf32>
    %eq3A_89 = arith.cmpf oeq, %gather3A_84, %select_n3A_77 : vector<16xf32>
    %lt3A_90 = arith.cmpi slt, %gather3A_87, %select_n3A_78 : vector<16xi32>
    %and3A_91 = arith.andi %eq3A_89, %lt3A_90 : vector<16xi1>
    %or3A_92 = arith.ori %gt3A_88, %and3A_91 : vector<16xi1>
    %select_n3A_93 = arith.select %or3A_92, %gather3A_84, %select_n3A_77 : vector<16xi1>, vector<16xf32>
    %select_n3A_94 = arith.select %or3A_92, %gather3A_87, %select_n3A_78 : vector<16xi1>, vector<16xi32>
    %xor3A_95 = arith.constant 1 : i32
    %xor3A_96 = vector.broadcast %xor3A_95 : i32 to vector<16xi32>
    %xor3A_97 = arith.xori %iota3A, %xor3A_96 : vector<16xi32>
    %broadcast_in_dim3A_98 = vector.shape_cast %xor3A_97 : vector<16xi32> to vector<16x1xi32>
    %gather3A_99 = vector.shape_cast %broadcast_in_dim3A_98 : vector<16x1xi32> to vector<16xi32>
    %gather3A_100 = tpu.dynamic_gather %scan3A_35#2[%gather3A_99] in [0] : vector<16xf32>, vector<16xi32> -> vector<16xf32>
    %broadcast_in_dim3A_101 = vector.shape_cast %xor3A_97 : vector<16xi32> to vector<16x1xi32>
    %gather3A_102 = vector.shape_cast %broadcast_in_dim3A_101 : vector<16x1xi32> to vector<16xi32>
    %gather3A_103 = tpu.dynamic_gather %scan3A_35#3[%gather3A_102] in [0] : vector<16xi32>, vector<16xi32> -> vector<16xi32>
    %gt3A_104 = arith.cmpf ogt, %gather3A_100, %scan3A_35#2 : vector<16xf32>
    %eq3A_105 = arith.cmpf oeq, %gather3A_100, %scan3A_35#2 : vector<16xf32>
    %lt3A_106 = arith.cmpi slt, %gather3A_103, %scan3A_35#3 : vector<16xi32>
    %and3A_107 = arith.andi %eq3A_105, %lt3A_106 : vector<16xi1>
    %or3A_108 = arith.ori %gt3A_104, %and3A_107 : vector<16xi1>
    %select_n3A_109 = arith.select %or3A_108, %gather3A_100, %scan3A_35#2 : vector<16xi1>, vector<16xf32>
    %select_n3A_110 = arith.select %or3A_108, %gather3A_103, %scan3A_35#3 : vector<16xi1>, vector<16xi32>
    %xor3A_111 = arith.constant 2 : i32
    %xor3A_112 = vector.broadcast %xor3A_111 : i32 to vector<16xi32>
    %xor3A_113 = arith.xori %iota3A, %xor3A_112 : vector<16xi32>
    %broadcast_in_dim3A_114 = vector.shape_cast %xor3A_113 : vector<16xi32> to vector<16x1xi32>
    %gather3A_115 = vector.shape_cast %broadcast_in_dim3A_114 : vector<16x1xi32> to vector<16xi32>
    %gather3A_116 = tpu.dynamic_gather %select_n3A_109[%gather3A_115] in [0] : vector<16xf32>, vector<16xi32> -> vector<16xf32>
    %broadcast_in_dim3A_117 = vector.shape_cast %xor3A_113 : vector<16xi32> to vector<16x1xi32>
    %gather3A_118 = vector.shape_cast %broadcast_in_dim3A_117 : vector<16x1xi32> to vector<16xi32>
    %gather3A_119 = tpu.dynamic_gather %select_n3A_110[%gather3A_118] in [0] : vector<16xi32>, vector<16xi32> -> vector<16xi32>
    %gt3A_120 = arith.cmpf ogt, %gather3A_116, %select_n3A_109 : vector<16xf32>
    %eq3A_121 = arith.cmpf oeq, %gather3A_116, %select_n3A_109 : vector<16xf32>
    %lt3A_122 = arith.cmpi slt, %gather3A_119, %select_n3A_110 : vector<16xi32>
    %and3A_123 = arith.andi %eq3A_121, %lt3A_122 : vector<16xi1>
    %or3A_124 = arith.ori %gt3A_120, %and3A_123 : vector<16xi1>
    %select_n3A_125 = arith.select %or3A_124, %gather3A_116, %select_n3A_109 : vector<16xi1>, vector<16xf32>
    %select_n3A_126 = arith.select %or3A_124, %gather3A_119, %select_n3A_110 : vector<16xi1>, vector<16xi32>
    %xor3A_127 = arith.constant 4 : i32
    %xor3A_128 = vector.broadcast %xor3A_127 : i32 to vector<16xi32>
    %xor3A_129 = arith.xori %iota3A, %xor3A_128 : vector<16xi32>
    %broadcast_in_dim3A_130 = vector.shape_cast %xor3A_129 : vector<16xi32> to vector<16x1xi32>
    %gather3A_131 = vector.shape_cast %broadcast_in_dim3A_130 : vector<16x1xi32> to vector<16xi32>
    %gather3A_132 = tpu.dynamic_gather %select_n3A_125[%gather3A_131] in [0] : vector<16xf32>, vector<16xi32> -> vector<16xf32>
    %broadcast_in_dim3A_133 = vector.shape_cast %xor3A_129 : vector<16xi32> to vector<16x1xi32>
    %gather3A_134 = vector.shape_cast %broadcast_in_dim3A_133 : vector<16x1xi32> to vector<16xi32>
    %gather3A_135 = tpu.dynamic_gather %select_n3A_126[%gather3A_134] in [0] : vector<16xi32>, vector<16xi32> -> vector<16xi32>
    %gt3A_136 = arith.cmpf ogt, %gather3A_132, %select_n3A_125 : vector<16xf32>
    %eq3A_137 = arith.cmpf oeq, %gather3A_132, %select_n3A_125 : vector<16xf32>
    %lt3A_138 = arith.cmpi slt, %gather3A_135, %select_n3A_126 : vector<16xi32>
    %and3A_139 = arith.andi %eq3A_137, %lt3A_138 : vector<16xi1>
    %or3A_140 = arith.ori %gt3A_136, %and3A_139 : vector<16xi1>
    %select_n3A_141 = arith.select %or3A_140, %gather3A_132, %select_n3A_125 : vector<16xi1>, vector<16xf32>
    %select_n3A_142 = arith.select %or3A_140, %gather3A_135, %select_n3A_126 : vector<16xi1>, vector<16xi32>
    %xor3A_143 = arith.constant 8 : i32
    %xor3A_144 = vector.broadcast %xor3A_143 : i32 to vector<16xi32>
    %xor3A_145 = arith.xori %iota3A, %xor3A_144 : vector<16xi32>
    %broadcast_in_dim3A_146 = vector.shape_cast %xor3A_145 : vector<16xi32> to vector<16x1xi32>
    %gather3A_147 = vector.shape_cast %broadcast_in_dim3A_146 : vector<16x1xi32> to vector<16xi32>
    %gather3A_148 = tpu.dynamic_gather %select_n3A_141[%gather3A_147] in [0] : vector<16xf32>, vector<16xi32> -> vector<16xf32>
    %broadcast_in_dim3A_149 = vector.shape_cast %xor3A_145 : vector<16xi32> to vector<16x1xi32>
    %gather3A_150 = vector.shape_cast %broadcast_in_dim3A_149 : vector<16x1xi32> to vector<16xi32>
    %gather3A_151 = tpu.dynamic_gather %select_n3A_142[%gather3A_150] in [0] : vector<16xi32>, vector<16xi32> -> vector<16xi32>
    %gt3A_152 = arith.cmpf ogt, %gather3A_148, %select_n3A_141 : vector<16xf32>
    %eq3A_153 = arith.cmpf oeq, %gather3A_148, %select_n3A_141 : vector<16xf32>
    %lt3A_154 = arith.cmpi slt, %gather3A_151, %select_n3A_142 : vector<16xi32>
    %and3A_155 = arith.andi %eq3A_153, %lt3A_154 : vector<16xi1>
    %or3A_156 = arith.ori %gt3A_152, %and3A_155 : vector<16xi1>
    %select_n3A_157 = arith.select %or3A_156, %gather3A_148, %select_n3A_141 : vector<16xi1>, vector<16xf32>
    %select_n3A_158 = arith.select %or3A_156, %gather3A_151, %select_n3A_142 : vector<16xi1>, vector<16xi32>
    %swap3A = arith.constant 0 : i32
    %swap3A_159 = arith.index_cast %swap3A : i32 to index
    %swap3A_160 = arith.constant 0 : index
    %swap3A_161 = tpu.vector_load %arg6[%swap3A_159, %swap3A_160] {strides = array<i32>} : memref<2x16xi32, #tpu.memory_space<vmem>>, vector<1x16xi32>,
    %swap3A_162 = vector.shape_cast %swap3A_161 : vector<1x16xi32> to vector<16xi32>
    %swap3A_163 = vector.shape_cast %select_n3A_94 : vector<16xi32> to vector<1x16xi32>
    tpu.vector_store %arg6[%swap3A_159, %swap3A_160], %swap3A_163 {strides = array<i32>} : memref<2x16xi32, #tpu.memory_space<vmem>>, vector<1x16xi32>,
    %swap3A_164 = arith.constant 1 : i32
    %swap3A_165 = arith.index_cast %swap3A_164 : i32 to index
    %swap3A_166 = arith.constant 0 : index
    %swap3A_167 = tpu.vector_load %arg6[%swap3A_165, %swap3A_166] {strides = array<i32>} : memref<2x16xi32, #tpu.memory_space<vmem>>, vector<1x16xi32>,
    %swap3A_168 = vector.shape_cast %swap3A_167 : vector<1x16xi32> to vector<16xi32>
    %swap3A_169 = vector.shape_cast %select_n3A_158 : vector<16xi32> to vector<1x16xi32>
    tpu.vector_store %arg6[%swap3A_165, %swap3A_166], %swap3A_169 {strides = array<i32>} : memref<2x16xi32, #tpu.memory_space<vmem>>, vector<1x16xi32>,
    %dma_start3A = arith.constant 0 : i32
    %dma_start3A_170 = arith.constant 0 : i32
    %dma_start3A_171 = arith.constant 0 : i32
    %dma_start3A_172 = arith.constant 0 : i32
    %dma_start3A_173 = arith.constant 0 : i32
    %dma_start3A_174 = tpu.memref_slice %arg7[%dma_start3A_170, %dma_start3A_172, %dma_start3A_173] : memref<7x1x16384xf32, #tpu.memory_space<vmem>> -> memref<1x1x16384xf32, #tpu.memory_space<vmem>>
    %dma_start3A_175 = tpu.memref_squeeze %dma_start3A_174 : memref<1x1x16384xf32, #tpu.memory_space<vmem>> -> memref<1x16384xf32, #tpu.memory_space<vmem>>
    %dma_start3A_176 = arith.constant 0 : i32
    %dma_start3A_177 = tpu.memref_slice %arg6[%dma_start3A, %dma_start3A_176] : memref<2x16xi32, #tpu.memory_space<vmem>> -> memref<1x1xi32, #tpu.memory_space<vmem>>
    %dma_start3A_178 = tpu.memref_squeeze %dma_start3A_177 : memref<1x1xi32, #tpu.memory_space<vmem>> -> memref<1xi32, #tpu.memory_space<vmem>>
    %dma_start3A_179 = arith.constant 0 : i32
    %dma_start3A_180 = arith.constant 0 : i32
    %dma_start3A_181 = tpu.memref_slice %arg3[%dma_start3A_179, %dma_start3A_180] : memref<1024x65536xf32, #tpu.memory_space<hbm>> -> memref<1024x16384xf32, #tpu.memory_space<hbm>>
    %dma_start3A_182 = tpu.memref_slice %arg8[%dma_start3A_171] : memref<7x!tpu.dma_semaphore, #tpu.memory_space<semaphore_mem>> -> memref<1x!tpu.dma_semaphore, #tpu.memory_space<semaphore_mem>>
    %dma_start3A_183 = tpu.memref_squeeze %dma_start3A_182 : memref<1x!tpu.dma_semaphore, #tpu.memory_space<semaphore_mem>> -> memref<!tpu.dma_semaphore, #tpu.memory_space<semaphore_mem>>
    tpu.enqueue_indirect_dma source(%dma_start3A_181 : memref<1024x16384xf32, #tpu.memory_space<hbm>>) target(%dma_start3A_175 : memref<1x16384xf32, #tpu.memory_space<vmem>>) offsets(%dma_start3A_178 : memref<1xi32, #tpu.memory_space<vmem>>) semaphore(%dma_start3A_183 : memref<!tpu.dma_semaphore, #tpu.memory_space<semaphore_mem>>)
    %dma_start3A_184 = arith.constant 0 : i32
    %dma_start3A_185 = arith.constant 1 : i32
    %dma_start3A_186 = arith.constant 1 : i32
    %dma_start3A_187 = arith.constant 0 : i32
    %dma_start3A_188 = arith.constant 0 : i32
    %dma_start3A_189 = tpu.memref_slice %arg7[%dma_start3A_185, %dma_start3A_187, %dma_start3A_188] : memref<7x1x16384xf32, #tpu.memory_space<vmem>> -> memref<1x1x16384xf32, #tpu.memory_space<vmem>>
    %dma_start3A_190 = tpu.memref_squeeze %dma_start3A_189 : memref<1x1x16384xf32, #tpu.memory_space<vmem>> -> memref<1x16384xf32, #tpu.memory_space<vmem>>
    %dma_start3A_191 = arith.constant 0 : i32
    %dma_start3A_192 = tpu.memref_slice %arg6[%dma_start3A_184, %dma_start3A_191] : memref<2x16xi32, #tpu.memory_space<vmem>> -> memref<1x1xi32, #tpu.memory_space<vmem>>
    %dma_start3A_193 = tpu.memref_squeeze %dma_start3A_192 : memref<1x1xi32, #tpu.memory_space<vmem>> -> memref<1xi32, #tpu.memory_space<vmem>>
    %dma_start3A_194 = arith.constant 0 : i32
    %dma_start3A_195 = arith.constant 16384 : i32
    %dma_start3A_196 = tpu.memref_slice %arg3[%dma_start3A_194, %dma_start3A_195] : memref<1024x65536xf32, #tpu.memory_space<hbm>> -> memref<1024x16384xf32, #tpu.memory_space<hbm>>
    %dma_start3A_197 = tpu.memref_slice %arg8[%dma_start3A_186] : memref<7x!tpu.dma_semaphore, #tpu.memory_space<semaphore_mem>> -> memref<1x!tpu.dma_semaphore, #tpu.memory_space<semaphore_mem>>
    %dma_start3A_198 = tpu.memref_squeeze %dma_start3A_197 : memref<1x!tpu.dma_semaphore, #tpu.memory_space<semaphore_mem>> -> memref<!tpu.dma_semaphore, #tpu.memory_space<semaphore_mem>>
    tpu.enqueue_indirect_dma source(%dma_start3A_196 : memref<1024x16384xf32, #tpu.memory_space<hbm>>) target(%dma_start3A_190 : memref<1x16384xf32, #tpu.memory_space<vmem>>) offsets(%dma_start3A_193 : memref<1xi32, #tpu.memory_space<vmem>>) semaphore(%dma_start3A_198 : memref<!tpu.dma_semaphore, #tpu.memory_space<semaphore_mem>>)
    %dma_start3A_199 = arith.constant 0 : i32
    %dma_start3A_200 = arith.constant 2 : i32
    %dma_start3A_201 = arith.constant 2 : i32
    %dma_start3A_202 = arith.constant 0 : i32
    %dma_start3A_203 = arith.constant 0 : i32
    %dma_start3A_204 = tpu.memref_slice %arg7[%dma_start3A_200, %dma_start3A_202, %dma_start3A_203] : memref<7x1x16384xf32, #tpu.memory_space<vmem>> -> memref<1x1x16384xf32, #tpu.memory_space<vmem>>
    %dma_start3A_205 = tpu.memref_squeeze %dma_start3A_204 : memref<1x1x16384xf32, #tpu.memory_space<vmem>> -> memref<1x16384xf32, #tpu.memory_space<vmem>>
    %dma_start3A_206 = arith.constant 0 : i32
    %dma_start3A_207 = tpu.memref_slice %arg6[%dma_start3A_199, %dma_start3A_206] : memref<2x16xi32, #tpu.memory_space<vmem>> -> memref<1x1xi32, #tpu.memory_space<vmem>>
    %dma_start3A_208 = tpu.memref_squeeze %dma_start3A_207 : memref<1x1xi32, #tpu.memory_space<vmem>> -> memref<1xi32, #tpu.memory_space<vmem>>
    %dma_start3A_209 = arith.constant 0 : i32
    %dma_start3A_210 = arith.constant 32768 : i32
    %dma_start3A_211 = tpu.memref_slice %arg3[%dma_start3A_209, %dma_start3A_210] : memref<1024x65536xf32, #tpu.memory_space<hbm>> -> memref<1024x16384xf32, #tpu.memory_space<hbm>>
    %dma_start3A_212 = tpu.memref_slice %arg8[%dma_start3A_201] : memref<7x!tpu.dma_semaphore, #tpu.memory_space<semaphore_mem>> -> memref<1x!tpu.dma_semaphore, #tpu.memory_space<semaphore_mem>>
    %dma_start3A_213 = tpu.memref_squeeze %dma_start3A_212 : memref<1x!tpu.dma_semaphore, #tpu.memory_space<semaphore_mem>> -> memref<!tpu.dma_semaphore, #tpu.memory_space<semaphore_mem>>
    tpu.enqueue_indirect_dma source(%dma_start3A_211 : memref<1024x16384xf32, #tpu.memory_space<hbm>>) target(%dma_start3A_205 : memref<1x16384xf32, #tpu.memory_space<vmem>>) offsets(%dma_start3A_208 : memref<1xi32, #tpu.memory_space<vmem>>) semaphore(%dma_start3A_213 : memref<!tpu.dma_semaphore, #tpu.memory_space<semaphore_mem>>)
    %dma_start3A_214 = arith.constant 0 : i32
    %dma_start3A_215 = arith.constant 3 : i32
    %dma_start3A_216 = arith.constant 3 : i32
    %dma_start3A_217 = arith.constant 0 : i32
    %dma_start3A_218 = arith.constant 0 : i32
    %dma_start3A_219 = tpu.memref_slice %arg7[%dma_start3A_215, %dma_start3A_217, %dma_start3A_218] : memref<7x1x16384xf32, #tpu.memory_space<vmem>> -> memref<1x1x16384xf32, #tpu.memory_space<vmem>>
    %dma_start3A_220 = tpu.memref_squeeze %dma_start3A_219 : memref<1x1x16384xf32, #tpu.memory_space<vmem>> -> memref<1x16384xf32, #tpu.memory_space<vmem>>
    %dma_start3A_221 = arith.constant 0 : i32
    %dma_start3A_222 = tpu.memref_slice %arg6[%dma_start3A_214, %dma_start3A_221] : memref<2x16xi32, #tpu.memory_space<vmem>> -> memref<1x1xi32, #tpu.memory_space<vmem>>
    %dma_start3A_223 = tpu.memref_squeeze %dma_start3A_222 : memref<1x1xi32, #tpu.memory_space<vmem>> -> memref<1xi32, #tpu.memory_space<vmem>>
    %dma_start3A_224 = arith.constant 0 : i32
    %dma_start3A_225 = arith.constant 49152 : i32
    %dma_start3A_226 = tpu.memref_slice %arg3[%dma_start3A_224, %dma_start3A_225] : memref<1024x65536xf32, #tpu.memory_space<hbm>> -> memref<1024x16384xf32, #tpu.memory_space<hbm>>
    %dma_start3A_227 = tpu.memref_slice %arg8[%dma_start3A_216] : memref<7x!tpu.dma_semaphore, #tpu.memory_space<semaphore_mem>> -> memref<1x!tpu.dma_semaphore, #tpu.memory_space<semaphore_mem>>
    %dma_start3A_228 = tpu.memref_squeeze %dma_start3A_227 : memref<1x!tpu.dma_semaphore, #tpu.memory_space<semaphore_mem>> -> memref<!tpu.dma_semaphore, #tpu.memory_space<semaphore_mem>>
    tpu.enqueue_indirect_dma source(%dma_start3A_226 : memref<1024x16384xf32, #tpu.memory_space<hbm>>) target(%dma_start3A_220 : memref<1x16384xf32, #tpu.memory_space<vmem>>) offsets(%dma_start3A_223 : memref<1xi32, #tpu.memory_space<vmem>>) semaphore(%dma_start3A_228 : memref<!tpu.dma_semaphore, #tpu.memory_space<semaphore_mem>>)
    %dma_start3A_229 = arith.constant 1 : i32
    %dma_start3A_230 = arith.constant 4 : i32
    %dma_start3A_231 = arith.constant 4 : i32
    %dma_start3A_232 = arith.constant 0 : i32
    %dma_start3A_233 = arith.constant 0 : i32
    %dma_start3A_234 = tpu.memref_slice %arg7[%dma_start3A_230, %dma_start3A_232, %dma_start3A_233] : memref<7x1x16384xf32, #tpu.memory_space<vmem>> -> memref<1x1x16384xf32, #tpu.memory_space<vmem>>
    %dma_start3A_235 = tpu.memref_squeeze %dma_start3A_234 : memref<1x1x16384xf32, #tpu.memory_space<vmem>> -> memref<1x16384xf32, #tpu.memory_space<vmem>>
    %dma_start3A_236 = arith.constant 0 : i32
    %dma_start3A_237 = tpu.memref_slice %arg6[%dma_start3A_229, %dma_start3A_236] : memref<2x16xi32, #tpu.memory_space<vmem>> -> memref<1x1xi32, #tpu.memory_space<vmem>>
    %dma_start3A_238 = tpu.memref_squeeze %dma_start3A_237 : memref<1x1xi32, #tpu.memory_space<vmem>> -> memref<1xi32, #tpu.memory_space<vmem>>
    %dma_start3A_239 = arith.constant 0 : i32
    %dma_start3A_240 = arith.constant 0 : i32
    %dma_start3A_241 = tpu.memref_slice %arg3[%dma_start3A_239, %dma_start3A_240] : memref<1024x65536xf32, #tpu.memory_space<hbm>> -> memref<1024x16384xf32, #tpu.memory_space<hbm>>
    %dma_start3A_242 = tpu.memref_slice %arg8[%dma_start3A_231] : memref<7x!tpu.dma_semaphore, #tpu.memory_space<semaphore_mem>> -> memref<1x!tpu.dma_semaphore, #tpu.memory_space<semaphore_mem>>
    %dma_start3A_243 = tpu.memref_squeeze %dma_start3A_242 : memref<1x!tpu.dma_semaphore, #tpu.memory_space<semaphore_mem>> -> memref<!tpu.dma_semaphore, #tpu.memory_space<semaphore_mem>>
    tpu.enqueue_indirect_dma source(%dma_start3A_241 : memref<1024x16384xf32, #tpu.memory_space<hbm>>) target(%dma_start3A_235 : memref<1x16384xf32, #tpu.memory_space<vmem>>) offsets(%dma_start3A_238 : memref<1xi32, #tpu.memory_space<vmem>>) semaphore(%dma_start3A_243 : memref<!tpu.dma_semaphore, #tpu.memory_space<semaphore_mem>>)
    %dma_start3A_244 = arith.constant 1 : i32
    %dma_start3A_245 = arith.constant 5 : i32
    %dma_start3A_246 = arith.constant 5 : i32
    %dma_start3A_247 = arith.constant 0 : i32
    %dma_start3A_248 = arith.constant 0 : i32
    %dma_start3A_249 = tpu.memref_slice %arg7[%dma_start3A_245, %dma_start3A_247, %dma_start3A_248] : memref<7x1x16384xf32, #tpu.memory_space<vmem>> -> memref<1x1x16384xf32, #tpu.memory_space<vmem>>
    %dma_start3A_250 = tpu.memref_squeeze %dma_start3A_249 : memref<1x1x16384xf32, #tpu.memory_space<vmem>> -> memref<1x16384xf32, #tpu.memory_space<vmem>>
    %dma_start3A_251 = arith.constant 0 : i32
    %dma_start3A_252 = tpu.memref_slice %arg6[%dma_start3A_244, %dma_start3A_251] : memref<2x16xi32, #tpu.memory_space<vmem>> -> memref<1x1xi32, #tpu.memory_space<vmem>>
    %dma_start3A_253 = tpu.memref_squeeze %dma_start3A_252 : memref<1x1xi32, #tpu.memory_space<vmem>> -> memref<1xi32, #tpu.memory_space<vmem>>
    %dma_start3A_254 = arith.constant 0 : i32
    %dma_start3A_255 = arith.constant 16384 : i32
    %dma_start3A_256 = tpu.memref_slice %arg3[%dma_start3A_254, %dma_start3A_255] : memref<1024x65536xf32, #tpu.memory_space<hbm>> -> memref<1024x16384xf32, #tpu.memory_space<hbm>>
    %dma_start3A_257 = tpu.memref_slice %arg8[%dma_start3A_246] : memref<7x!tpu.dma_semaphore, #tpu.memory_space<semaphore_mem>> -> memref<1x!tpu.dma_semaphore, #tpu.memory_space<semaphore_mem>>
    %dma_start3A_258 = tpu.memref_squeeze %dma_start3A_257 : memref<1x!tpu.dma_semaphore, #tpu.memory_space<semaphore_mem>> -> memref<!tpu.dma_semaphore, #tpu.memory_space<semaphore_mem>>
    tpu.enqueue_indirect_dma source(%dma_start3A_256 : memref<1024x16384xf32, #tpu.memory_space<hbm>>) target(%dma_start3A_250 : memref<1x16384xf32, #tpu.memory_space<vmem>>) offsets(%dma_start3A_253 : memref<1xi32, #tpu.memory_space<vmem>>) semaphore(%dma_start3A_258 : memref<!tpu.dma_semaphore, #tpu.memory_space<semaphore_mem>>)
    %dma_start3A_259 = arith.constant 1 : i32
    %dma_start3A_260 = arith.constant 6 : i32
    %dma_start3A_261 = arith.constant 6 : i32
    %dma_start3A_262 = arith.constant 0 : i32
    %dma_start3A_263 = arith.constant 0 : i32
    %dma_start3A_264 = tpu.memref_slice %arg7[%dma_start3A_260, %dma_start3A_262, %dma_start3A_263] : memref<7x1x16384xf32, #tpu.memory_space<vmem>> -> memref<1x1x16384xf32, #tpu.memory_space<vmem>>
    %dma_start3A_265 = tpu.memref_squeeze %dma_start3A_264 : memref<1x1x16384xf32, #tpu.memory_space<vmem>> -> memref<1x16384xf32, #tpu.memory_space<vmem>>
    %dma_start3A_266 = arith.constant 0 : i32
    %dma_start3A_267 = tpu.memref_slice %arg6[%dma_start3A_259, %dma_start3A_266] : memref<2x16xi32, #tpu.memory_space<vmem>> -> memref<1x1xi32, #tpu.memory_space<vmem>>
    %dma_start3A_268 = tpu.memref_squeeze %dma_start3A_267 : memref<1x1xi32, #tpu.memory_space<vmem>> -> memref<1xi32, #tpu.memory_space<vmem>>
    %dma_start3A_269 = arith.constant 0 : i32
    %dma_start3A_270 = arith.constant 32768 : i32
    %dma_start3A_271 = tpu.memref_slice %arg3[%dma_start3A_269, %dma_start3A_270] : memref<1024x65536xf32, #tpu.memory_space<hbm>> -> memref<1024x16384xf32, #tpu.memory_space<hbm>>
    %dma_start3A_272 = tpu.memref_slice %arg8[%dma_start3A_261] : memref<7x!tpu.dma_semaphore, #tpu.memory_space<semaphore_mem>> -> memref<1x!tpu.dma_semaphore, #tpu.memory_space<semaphore_mem>>
    %dma_start3A_273 = tpu.memref_squeeze %dma_start3A_272 : memref<1x!tpu.dma_semaphore, #tpu.memory_space<semaphore_mem>> -> memref<!tpu.dma_semaphore, #tpu.memory_space<semaphore_mem>>
    tpu.enqueue_indirect_dma source(%dma_start3A_271 : memref<1024x16384xf32, #tpu.memory_space<hbm>>) target(%dma_start3A_265 : memref<1x16384xf32, #tpu.memory_space<vmem>>) offsets(%dma_start3A_268 : memref<1xi32, #tpu.memory_space<vmem>>) semaphore(%dma_start3A_273 : memref<!tpu.dma_semaphore, #tpu.memory_space<semaphore_mem>>)
    %dma_wait3A = arith.constant 0 : i32
    %dma_wait3A_274 = arith.constant 0 : i32
    %dma_wait3A_275 = arith.constant 0 : i32
    %dma_wait3A_276 = arith.constant 0 : i32
    %dma_wait3A_277 = arith.constant 0 : i32
    %dma_wait3A_278 = tpu.memref_slice %arg7[%dma_wait3A_274, %dma_wait3A_276, %dma_wait3A_277] : memref<7x1x16384xf32, #tpu.memory_space<vmem>> -> memref<1x1x16384xf32, #tpu.memory_space<vmem>>
    %dma_wait3A_279 = tpu.memref_squeeze %dma_wait3A_278 : memref<1x1x16384xf32, #tpu.memory_space<vmem>> -> memref<1x16384xf32, #tpu.memory_space<vmem>>
    %dma_wait3A_280 = arith.constant 0 : i32
    %dma_wait3A_281 = tpu.memref_slice %arg6[%dma_wait3A, %dma_wait3A_280] : memref<2x16xi32, #tpu.memory_space<vmem>> -> memref<1x1xi32, #tpu.memory_space<vmem>>
    %dma_wait3A_282 = tpu.memref_squeeze %dma_wait3A_281 : memref<1x1xi32, #tpu.memory_space<vmem>> -> memref<1xi32, #tpu.memory_space<vmem>>
    %dma_wait3A_283 = arith.constant 0 : i32
    %dma_wait3A_284 = arith.constant 0 : i32
    %dma_wait3A_285 = tpu.memref_slice %arg3[%dma_wait3A_283, %dma_wait3A_284] : memref<1024x65536xf32, #tpu.memory_space<hbm>> -> memref<1024x16384xf32, #tpu.memory_space<hbm>>
    %dma_wait3A_286 = tpu.memref_slice %arg8[%dma_wait3A_275] : memref<7x!tpu.dma_semaphore, #tpu.memory_space<semaphore_mem>> -> memref<1x!tpu.dma_semaphore, #tpu.memory_space<semaphore_mem>>
    %dma_wait3A_287 = tpu.memref_squeeze %dma_wait3A_286 : memref<1x!tpu.dma_semaphore, #tpu.memory_space<semaphore_mem>> -> memref<!tpu.dma_semaphore, #tpu.memory_space<semaphore_mem>>
    tpu.wait_indirect_dma semaphore(%dma_wait3A_287 : memref<!tpu.dma_semaphore, #tpu.memory_space<semaphore_mem>>) src(%dma_wait3A_285 : memref<1024x16384xf32, #tpu.memory_space<hbm>>) dst(%dma_wait3A_279 : memref<1x16384xf32, #tpu.memory_space<vmem>>)
    %add3A_288 = arith.constant 0 : i32
    %add3A_289 = arith.addi %mul3A_20, %add3A_288 : i32
    %dma_start3A_290 = arith.constant 0 : i32
    %dma_start3A_291 = arith.constant 0 : i32
    %dma_start3A_292 = arith.constant 0 : i32
    %dma_start3A_293 = arith.constant 0 : i32
    %dma_start3A_294 = tpu.memref_slice %arg7[%dma_start3A_290, %dma_start3A_292, %dma_start3A_293] : memref<7x1x16384xf32, #tpu.memory_space<vmem>> -> memref<1x1x16384xf32, #tpu.memory_space<vmem>>
    %dma_start3A_295 = tpu.memref_squeeze %dma_start3A_294 : memref<1x1x16384xf32, #tpu.memory_space<vmem>> -> memref<1x16384xf32, #tpu.memory_space<vmem>>
    %dma_start3A_296 = arith.constant 0 : i32
    %dma_start3A_297 = tpu.memref_slice %arg4[%add3A_289, %dma_start3A_296] : memref<64x65536xf32, #tpu.memory_space<hbm>> -> memref<1x16384xf32, #tpu.memory_space<hbm>>
    %dma_start3A_298 = tpu.memref_slice %arg9[%dma_start3A_291] : memref<7x!tpu.dma_semaphore, #tpu.memory_space<semaphore_mem>> -> memref<1x!tpu.dma_semaphore, #tpu.memory_space<semaphore_mem>>
    %dma_start3A_299 = tpu.memref_squeeze %dma_start3A_298 : memref<1x!tpu.dma_semaphore, #tpu.memory_space<semaphore_mem>> -> memref<!tpu.dma_semaphore, #tpu.memory_space<semaphore_mem>>
    %dma_start3A_300 = arith.constant 0 : i32
    %dma_start3A_301 = tpu.memref_slice %arg4[%add3A_289, %dma_start3A_300] : memref<64x65536xf32, #tpu.memory_space<hbm>> -> memref<1x16384xf32, #tpu.memory_space<hbm>>
    %dma_start3A_302 = arith.constant 0 : i32
    %dma_start3A_303 = arith.constant 0 : i32
    %dma_start3A_304 = tpu.memref_slice %arg7[%dma_start3A_290, %dma_start3A_302, %dma_start3A_303] : memref<7x1x16384xf32, #tpu.memory_space<vmem>> -> memref<1x1x16384xf32, #tpu.memory_space<vmem>>
    %dma_start3A_305 = tpu.memref_squeeze %dma_start3A_304 : memref<1x1x16384xf32, #tpu.memory_space<vmem>> -> memref<1x16384xf32, #tpu.memory_space<vmem>>
    tpu.enqueue_dma source(%dma_start3A_305 : memref<1x16384xf32, #tpu.memory_space<vmem>>) target(%dma_start3A_301 : memref<1x16384xf32, #tpu.memory_space<hbm>>) target_semaphore(%dma_start3A_299 : memref<!tpu.dma_semaphore, #tpu.memory_space<semaphore_mem>>)
    %dma_wait3A_306 = arith.constant 0 : i32
    %dma_wait3A_307 = arith.constant 0 : i32
    %dma_wait3A_308 = arith.constant 0 : i32
    %dma_wait3A_309 = arith.constant 0 : i32
    %dma_wait3A_310 = tpu.memref_slice %arg7[%dma_wait3A_306, %dma_wait3A_308, %dma_wait3A_309] : memref<7x1x16384xf32, #tpu.memory_space<vmem>> -> memref<1x1x16384xf32, #tpu.memory_space<vmem>>
    %dma_wait3A_311 = tpu.memref_squeeze %dma_wait3A_310 : memref<1x1x16384xf32, #tpu.memory_space<vmem>> -> memref<1x16384xf32, #tpu.memory_space<vmem>>
    %dma_wait3A_312 = arith.constant 0 : i32
    %dma_wait3A_313 = tpu.memref_slice %arg4[%add3A_289, %dma_wait3A_312] : memref<64x65536xf32, #tpu.memory_space<hbm>> -> memref<1x16384xf32, #tpu.memory_space<hbm>>
    %dma_wait3A_314 = tpu.memref_slice %arg9[%dma_wait3A_307] : memref<7x!tpu.dma_semaphore, #tpu.memory_space<semaphore_mem>> -> memref<1x!tpu.dma_semaphore, #tpu.memory_space<semaphore_mem>>
    %dma_wait3A_315 = tpu.memref_squeeze %dma_wait3A_314 : memref<1x!tpu.dma_semaphore, #tpu.memory_space<semaphore_mem>> -> memref<!tpu.dma_semaphore, #tpu.memory_space<semaphore_mem>>
    %dma_wait3A_316 = arith.constant 0 : i32
    %dma_wait3A_317 = tpu.memref_slice %arg4[%add3A_289, %dma_wait3A_316] : memref<64x65536xf32, #tpu.memory_space<hbm>> -> memref<1x16384xf32, #tpu.memory_space<hbm>>
    %dma_wait3A_318 = arith.constant 0 : i32
    %dma_wait3A_319 = arith.constant 0 : i32
    %dma_wait3A_320 = tpu.memref_slice %arg7[%dma_wait3A_306, %dma_wait3A_318, %dma_wait3A_319] : memref<7x1x16384xf32, #tpu.memory_space<vmem>> -> memref<1x1x16384xf32, #tpu.memory_space<vmem>>
    %dma_wait3A_321 = tpu.memref_squeeze %dma_wait3A_320 : memref<1x1x16384xf32, #tpu.memory_space<vmem>> -> memref<1x16384xf32, #tpu.memory_space<vmem>>
    tpu.wait_dma2 semaphore(%dma_wait3A_315 : memref<!tpu.dma_semaphore, #tpu.memory_space<semaphore_mem>>) src(%dma_wait3A_321 : memref<1x16384xf32, #tpu.memory_space<vmem>>) dst(%dma_wait3A_317 : memref<1x16384xf32, #tpu.memory_space<hbm>>)
    %dma_start3A_322 = arith.constant 1 : i32
    %dma_start3A_323 = arith.constant 0 : i32
    %dma_start3A_324 = arith.constant 0 : i32
    %dma_start3A_325 = arith.constant 0 : i32
    %dma_start3A_326 = arith.constant 0 : i32
    %dma_start3A_327 = tpu.memref_slice %arg7[%dma_start3A_323, %dma_start3A_325, %dma_start3A_326] : memref<7x1x16384xf32, #tpu.memory_space<vmem>> -> memref<1x1x16384xf32, #tpu.memory_space<vmem>>
    %dma_start3A_328 = tpu.memref_squeeze %dma_start3A_327 : memref<1x1x16384xf32, #tpu.memory_space<vmem>> -> memref<1x16384xf32, #tpu.memory_space<vmem>>
    %dma_start3A_329 = arith.constant 0 : i32
    %dma_start3A_330 = tpu.memref_slice %arg6[%dma_start3A_322, %dma_start3A_329] : memref<2x16xi32, #tpu.memory_space<vmem>> -> memref<1x1xi32, #tpu.memory_space<vmem>>
    %dma_start3A_331 = tpu.memref_squeeze %dma_start3A_330 : memref<1x1xi32, #tpu.memory_space<vmem>> -> memref<1xi32, #tpu.memory_space<vmem>>
    %dma_start3A_332 = arith.constant 0 : i32
    %dma_start3A_333 = arith.constant 49152 : i32
    %dma_start3A_334 = tpu.memref_slice %arg3[%dma_start3A_332, %dma_start3A_333] : memref<1024x65536xf32, #tpu.memory_space<hbm>> -> memref<1024x16384xf32, #tpu.memory_space<hbm>>
    %dma_start3A_335 = tpu.memref_slice %arg8[%dma_start3A_324] : memref<7x!tpu.dma_semaphore, #tpu.memory_space<semaphore_mem>> -> memref<1x!tpu.dma_semaphore, #tpu.memory_space<semaphore_mem>>
    %dma_start3A_336 = tpu.memref_squeeze %dma_start3A_335 : memref<1x!tpu.dma_semaphore, #tpu.memory_space<semaphore_mem>> -> memref<!tpu.dma_semaphore, #tpu.memory_space<semaphore_mem>>
    tpu.enqueue_indirect_dma source(%dma_start3A_334 : memref<1024x16384xf32, #tpu.memory_space<hbm>>) target(%dma_start3A_328 : memref<1x16384xf32, #tpu.memory_space<vmem>>) offsets(%dma_start3A_331 : memref<1xi32, #tpu.memory_space<vmem>>) semaphore(%dma_start3A_336 : memref<!tpu.dma_semaphore, #tpu.memory_space<semaphore_mem>>)
    %dma_wait3A_337 = arith.constant 0 : i32
    %dma_wait3A_338 = arith.constant 1 : i32
    %dma_wait3A_339 = arith.constant 1 : i32
    %dma_wait3A_340 = arith.constant 0 : i32
    %dma_wait3A_341 = arith.constant 0 : i32
    %dma_wait3A_342 = tpu.memref_slice %arg7[%dma_wait3A_338, %dma_wait3A_340, %dma_wait3A_341] : memref<7x1x16384xf32, #tpu.memory_space<vmem>> -> memref<1x1x16384xf32, #tpu.memory_space<vmem>>
    %dma_wait3A_343 = tpu.memref_squeeze %dma_wait3A_342 : memref<1x1x16384xf32, #tpu.memory_space<vmem>> -> memref<1x16384xf32, #tpu.memory_space<vmem>>
    %dma_wait3A_344 = arith.constant 0 : i32
    %dma_wait3A_345 = tpu.memref_slice %arg6[%dma_wait3A_337, %dma_wait3A_344] : memref<2x16xi32, #tpu.memory_space<vmem>> -> memref<1x1xi32, #tpu.memory_space<vmem>>
    %dma_wait3A_346 = tpu.memref_squeeze %dma_wait3A_345 : memref<1x1xi32, #tpu.memory_space<vmem>> -> memref<1xi32, #tpu.memory_space<vmem>>
    %dma_wait3A_347 = arith.constant 0 : i32
    %dma_wait3A_348 = arith.constant 16384 : i32
    %dma_wait3A_349 = tpu.memref_slice %arg3[%dma_wait3A_347, %dma_wait3A_348] : memref<1024x65536xf32, #tpu.memory_space<hbm>> -> memref<1024x16384xf32, #tpu.memory_space<hbm>>
    %dma_wait3A_350 = tpu.memref_slice %arg8[%dma_wait3A_339] : memref<7x!tpu.dma_semaphore, #tpu.memory_space<semaphore_mem>> -> memref<1x!tpu.dma_semaphore, #tpu.memory_space<semaphore_mem>>
    %dma_wait3A_351 = tpu.memref_squeeze %dma_wait3A_350 : memref<1x!tpu.dma_semaphore, #tpu.memory_space<semaphore_mem>> -> memref<!tpu.dma_semaphore, #tpu.memory_space<semaphore_mem>>
    tpu.wait_indirect_dma semaphore(%dma_wait3A_351 : memref<!tpu.dma_semaphore, #tpu.memory_space<semaphore_mem>>) src(%dma_wait3A_349 : memref<1024x16384xf32, #tpu.memory_space<hbm>>) dst(%dma_wait3A_343 : memref<1x16384xf32, #tpu.memory_space<vmem>>)
    %add3A_352 = arith.constant 0 : i32
    %add3A_353 = arith.addi %mul3A_20, %add3A_352 : i32
    %dma_start3A_354 = arith.constant 1 : i32
    %dma_start3A_355 = arith.constant 1 : i32
    %dma_start3A_356 = arith.constant 0 : i32
    %dma_start3A_357 = arith.constant 0 : i32
    %dma_start3A_358 = tpu.memref_slice %arg7[%dma_start3A_354, %dma_start3A_356, %dma_start3A_357] : memref<7x1x16384xf32, #tpu.memory_space<vmem>> -> memref<1x1x16384xf32, #tpu.memory_space<vmem>>
    %dma_start3A_359 = tpu.memref_squeeze %dma_start3A_358 : memref<1x1x16384xf32, #tpu.memory_space<vmem>> -> memref<1x16384xf32, #tpu.memory_space<vmem>>
    %dma_start3A_360 = arith.constant 16384 : i32
    %dma_start3A_361 = tpu.memref_slice %arg4[%add3A_353, %dma_start3A_360] : memref<64x65536xf32, #tpu.memory_space<hbm>> -> memref<1x16384xf32, #tpu.memory_space<hbm>>
    %dma_start3A_362 = tpu.memref_slice %arg9[%dma_start3A_355] : memref<7x!tpu.dma_semaphore, #tpu.memory_space<semaphore_mem>> -> memref<1x!tpu.dma_semaphore, #tpu.memory_space<semaphore_mem>>
    %dma_start3A_363 = tpu.memref_squeeze %dma_start3A_362 : memref<1x!tpu.dma_semaphore, #tpu.memory_space<semaphore_mem>> -> memref<!tpu.dma_semaphore, #tpu.memory_space<semaphore_mem>>
    %dma_start3A_364 = arith.constant 16384 : i32
    %dma_start3A_365 = tpu.memref_slice %arg4[%add3A_353, %dma_start3A_364] : memref<64x65536xf32, #tpu.memory_space<hbm>> -> memref<1x16384xf32, #tpu.memory_space<hbm>>
    %dma_start3A_366 = arith.constant 0 : i32
    %dma_start3A_367 = arith.constant 0 : i32
    %dma_start3A_368 = tpu.memref_slice %arg7[%dma_start3A_354, %dma_start3A_366, %dma_start3A_367] : memref<7x1x16384xf32, #tpu.memory_space<vmem>> -> memref<1x1x16384xf32, #tpu.memory_space<vmem>>
    %dma_start3A_369 = tpu.memref_squeeze %dma_start3A_368 : memref<1x1x16384xf32, #tpu.memory_space<vmem>> -> memref<1x16384xf32, #tpu.memory_space<vmem>>
    tpu.enqueue_dma source(%dma_start3A_369 : memref<1x16384xf32, #tpu.memory_space<vmem>>) target(%dma_start3A_365 : memref<1x16384xf32, #tpu.memory_space<hbm>>) target_semaphore(%dma_start3A_363 : memref<!tpu.dma_semaphore, #tpu.memory_space<semaphore_mem>>)
    %dma_wait3A_370 = arith.constant 0 : i32
    %dma_wait3A_371 = arith.constant 2 : i32
    %dma_wait3A_372 = arith.constant 2 : i32
    %dma_wait3A_373 = arith.constant 0 : i32
    %dma_wait3A_374 = arith.constant 0 : i32
    %dma_wait3A_375 = tpu.memref_slice %arg7[%dma_wait3A_371, %dma_wait3A_373, %dma_wait3A_374] : memref<7x1x16384xf32, #tpu.memory_space<vmem>> -> memref<1x1x16384xf32, #tpu.memory_space<vmem>>
    %dma_wait3A_376 = tpu.memref_squeeze %dma_wait3A_375 : memref<1x1x16384xf32, #tpu.memory_space<vmem>> -> memref<1x16384xf32, #tpu.memory_space<vmem>>
    %dma_wait3A_377 = arith.constant 0 : i32
    %dma_wait3A_378 = tpu.memref_slice %arg6[%dma_wait3A_370, %dma_wait3A_377] : memref<2x16xi32, #tpu.memory_space<vmem>> -> memref<1x1xi32, #tpu.memory_space<vmem>>
    %dma_wait3A_379 = tpu.memref_squeeze %dma_wait3A_378 : memref<1x1xi32, #tpu.memory_space<vmem>> -> memref<1xi32, #tpu.memory_space<vmem>>
    %dma_wait3A_380 = arith.constant 0 : i32
    %dma_wait3A_381 = arith.constant 32768 : i32
    %dma_wait3A_382 = tpu.memref_slice %arg3[%dma_wait3A_380, %dma_wait3A_381] : memref<1024x65536xf32, #tpu.memory_space<hbm>> -> memref<1024x16384xf32, #tpu.memory_space<hbm>>
    %dma_wait3A_383 = tpu.memref_slice %arg8[%dma_wait3A_372] : memref<7x!tpu.dma_semaphore, #tpu.memory_space<semaphore_mem>> -> memref<1x!tpu.dma_semaphore, #tpu.memory_space<semaphore_mem>>
    %dma_wait3A_384 = tpu.memref_squeeze %dma_wait3A_383 : memref<1x!tpu.dma_semaphore, #tpu.memory_space<semaphore_mem>> -> memref<!tpu.dma_semaphore, #tpu.memory_space<semaphore_mem>>
    tpu.wait_indirect_dma semaphore(%dma_wait3A_384 : memref<!tpu.dma_semaphore, #tpu.memory_space<semaphore_mem>>) src(%dma_wait3A_382 : memref<1024x16384xf32, #tpu.memory_space<hbm>>) dst(%dma_wait3A_376 : memref<1x16384xf32, #tpu.memory_space<vmem>>)
    %add3A_385 = arith.constant 0 : i32
    %add3A_386 = arith.addi %mul3A_20, %add3A_385 : i32
    %dma_start3A_387 = arith.constant 2 : i32
    %dma_start3A_388 = arith.constant 2 : i32
    %dma_start3A_389 = arith.constant 0 : i32
    %dma_start3A_390 = arith.constant 0 : i32
    %dma_start3A_391 = tpu.memref_slice %arg7[%dma_start3A_387, %dma_start3A_389, %dma_start3A_390] : memref<7x1x16384xf32, #tpu.memory_space<vmem>> -> memref<1x1x16384xf32, #tpu.memory_space<vmem>>
    %dma_start3A_392 = tpu.memref_squeeze %dma_start3A_391 : memref<1x1x16384xf32, #tpu.memory_space<vmem>> -> memref<1x16384xf32, #tpu.memory_space<vmem>>
    %dma_start3A_393 = arith.constant 32768 : i32
    %dma_start3A_394 = tpu.memref_slice %arg4[%add3A_386, %dma_start3A_393] : memref<64x65536xf32, #tpu.memory_space<hbm>> -> memref<1x16384xf32, #tpu.memory_space<hbm>>
    %dma_start3A_395 = tpu.memref_slice %arg9[%dma_start3A_388] : memref<7x!tpu.dma_semaphore, #tpu.memory_space<semaphore_mem>> -> memref<1x!tpu.dma_semaphore, #tpu.memory_space<semaphore_mem>>
    %dma_start3A_396 = tpu.memref_squeeze %dma_start3A_395 : memref<1x!tpu.dma_semaphore, #tpu.memory_space<semaphore_mem>> -> memref<!tpu.dma_semaphore, #tpu.memory_space<semaphore_mem>>
    %dma_start3A_397 = arith.constant 32768 : i32
    %dma_start3A_398 = tpu.memref_slice %arg4[%add3A_386, %dma_start3A_397] : memref<64x65536xf32, #tpu.memory_space<hbm>> -> memref<1x16384xf32, #tpu.memory_space<hbm>>
    %dma_start3A_399 = arith.constant 0 : i32
    %dma_start3A_400 = arith.constant 0 : i32
    %dma_start3A_401 = tpu.memref_slice %arg7[%dma_start3A_387, %dma_start3A_399, %dma_start3A_400] : memref<7x1x16384xf32, #tpu.memory_space<vmem>> -> memref<1x1x16384xf32, #tpu.memory_space<vmem>>
    %dma_start3A_402 = tpu.memref_squeeze %dma_start3A_401 : memref<1x1x16384xf32, #tpu.memory_space<vmem>> -> memref<1x16384xf32, #tpu.memory_space<vmem>>
    tpu.enqueue_dma source(%dma_start3A_402 : memref<1x16384xf32, #tpu.memory_space<vmem>>) target(%dma_start3A_398 : memref<1x16384xf32, #tpu.memory_space<hbm>>) target_semaphore(%dma_start3A_396 : memref<!tpu.dma_semaphore, #tpu.memory_space<semaphore_mem>>)
    %dma_wait3A_403 = arith.constant 0 : i32
    %dma_wait3A_404 = arith.constant 3 : i32
    %dma_wait3A_405 = arith.constant 3 : i32
    %dma_wait3A_406 = arith.constant 0 : i32
    %dma_wait3A_407 = arith.constant 0 : i32
    %dma_wait3A_408 = tpu.memref_slice %arg7[%dma_wait3A_404, %dma_wait3A_406, %dma_wait3A_407] : memref<7x1x16384xf32, #tpu.memory_space<vmem>> -> memref<1x1x16384xf32, #tpu.memory_space<vmem>>
    %dma_wait3A_409 = tpu.memref_squeeze %dma_wait3A_408 : memref<1x1x16384xf32, #tpu.memory_space<vmem>> -> memref<1x16384xf32, #tpu.memory_space<vmem>>
    %dma_wait3A_410 = arith.constant 0 : i32
    %dma_wait3A_411 = tpu.memref_slice %arg6[%dma_wait3A_403, %dma_wait3A_410] : memref<2x16xi32, #tpu.memory_space<vmem>> -> memref<1x1xi32, #tpu.memory_space<vmem>>
    %dma_wait3A_412 = tpu.memref_squeeze %dma_wait3A_411 : memref<1x1xi32, #tpu.memory_space<vmem>> -> memref<1xi32, #tpu.memory_space<vmem>>
    %dma_wait3A_413 = arith.constant 0 : i32
    %dma_wait3A_414 = arith.constant 49152 : i32
    %dma_wait3A_415 = tpu.memref_slice %arg3[%dma_wait3A_413, %dma_wait3A_414] : memref<1024x65536xf32, #tpu.memory_space<hbm>> -> memref<1024x16384xf32, #tpu.memory_space<hbm>>
    %dma_wait3A_416 = tpu.memref_slice %arg8[%dma_wait3A_405] : memref<7x!tpu.dma_semaphore, #tpu.memory_space<semaphore_mem>> -> memref<1x!tpu.dma_semaphore, #tpu.memory_space<semaphore_mem>>
    %dma_wait3A_417 = tpu.memref_squeeze %dma_wait3A_416 : memref<1x!tpu.dma_semaphore, #tpu.memory_space<semaphore_mem>> -> memref<!tpu.dma_semaphore, #tpu.memory_space<semaphore_mem>>
    tpu.wait_indirect_dma semaphore(%dma_wait3A_417 : memref<!tpu.dma_semaphore, #tpu.memory_space<semaphore_mem>>) src(%dma_wait3A_415 : memref<1024x16384xf32, #tpu.memory_space<hbm>>) dst(%dma_wait3A_409 : memref<1x16384xf32, #tpu.memory_space<vmem>>)
    %add3A_418 = arith.constant 0 : i32
    %add3A_419 = arith.addi %mul3A_20, %add3A_418 : i32
    %dma_start3A_420 = arith.constant 3 : i32
    %dma_start3A_421 = arith.constant 3 : i32
    %dma_start3A_422 = arith.constant 0 : i32
    %dma_start3A_423 = arith.constant 0 : i32
    %dma_start3A_424 = tpu.memref_slice %arg7[%dma_start3A_420, %dma_start3A_422, %dma_start3A_423] : memref<7x1x16384xf32, #tpu.memory_space<vmem>> -> memref<1x1x16384xf32, #tpu.memory_space<vmem>>
    %dma_start3A_425 = tpu.memref_squeeze %dma_start3A_424 : memref<1x1x16384xf32, #tpu.memory_space<vmem>> -> memref<1x16384xf32, #tpu.memory_space<vmem>>
    %dma_start3A_426 = arith.constant 49152 : i32
    %dma_start3A_427 = tpu.memref_slice %arg4[%add3A_419, %dma_start3A_426] : memref<64x65536xf32, #tpu.memory_space<hbm>> -> memref<1x16384xf32, #tpu.memory_space<hbm>>
    %dma_start3A_428 = tpu.memref_slice %arg9[%dma_start3A_421] : memref<7x!tpu.dma_semaphore, #tpu.memory_space<semaphore_mem>> -> memref<1x!tpu.dma_semaphore, #tpu.memory_space<semaphore_mem>>
    %dma_start3A_429 = tpu.memref_squeeze %dma_start3A_428 : memref<1x!tpu.dma_semaphore, #tpu.memory_space<semaphore_mem>> -> memref<!tpu.dma_semaphore, #tpu.memory_space<semaphore_mem>>
    %dma_start3A_430 = arith.constant 49152 : i32
    %dma_start3A_431 = tpu.memref_slice %arg4[%add3A_419, %dma_start3A_430] : memref<64x65536xf32, #tpu.memory_space<hbm>> -> memref<1x16384xf32, #tpu.memory_space<hbm>>
    %dma_start3A_432 = arith.constant 0 : i32
    %dma_start3A_433 = arith.constant 0 : i32
    %dma_start3A_434 = tpu.memref_slice %arg7[%dma_start3A_420, %dma_start3A_432, %dma_start3A_433] : memref<7x1x16384xf32, #tpu.memory_space<vmem>> -> memref<1x1x16384xf32, #tpu.memory_space<vmem>>
    %dma_start3A_435 = tpu.memref_squeeze %dma_start3A_434 : memref<1x1x16384xf32, #tpu.memory_space<vmem>> -> memref<1x16384xf32, #tpu.memory_space<vmem>>
    tpu.enqueue_dma source(%dma_start3A_435 : memref<1x16384xf32, #tpu.memory_space<vmem>>) target(%dma_start3A_431 : memref<1x16384xf32, #tpu.memory_space<hbm>>) target_semaphore(%dma_start3A_429 : memref<!tpu.dma_semaphore, #tpu.memory_space<semaphore_mem>>)
    %dma_wait3A_436 = arith.constant 1 : i32
    %dma_wait3A_437 = arith.constant 4 : i32
    %dma_wait3A_438 = arith.constant 4 : i32
    %dma_wait3A_439 = arith.constant 0 : i32
    %dma_wait3A_440 = arith.constant 0 : i32
    %dma_wait3A_441 = tpu.memref_slice %arg7[%dma_wait3A_437, %dma_wait3A_439, %dma_wait3A_440] : memref<7x1x16384xf32, #tpu.memory_space<vmem>> -> memref<1x1x16384xf32, #tpu.memory_space<vmem>>
    %dma_wait3A_442 = tpu.memref_squeeze %dma_wait3A_441 : memref<1x1x16384xf32, #tpu.memory_space<vmem>> -> memref<1x16384xf32, #tpu.memory_space<vmem>>
    %dma_wait3A_443 = arith.constant 0 : i32
    %dma_wait3A_444 = tpu.memref_slice %arg6[%dma_wait3A_436, %dma_wait3A_443] : memref<2x16xi32, #tpu.memory_space<vmem>> -> memref<1x1xi32, #tpu.memory_space<vmem>>
    %dma_wait3A_445 = tpu.memref_squeeze %dma_wait3A_444 : memref<1x1xi32, #tpu.memory_space<vmem>> -> memref<1xi32, #tpu.memory_space<vmem>>
    %dma_wait3A_446 = arith.constant 0 : i32
    %dma_wait3A_447 = arith.constant 0 : i32
    %dma_wait3A_448 = tpu.memref_slice %arg3[%dma_wait3A_446, %dma_wait3A_447] : memref<1024x65536xf32, #tpu.memory_space<hbm>> -> memref<1024x16384xf32, #tpu.memory_space<hbm>>
    %dma_wait3A_449 = tpu.memref_slice %arg8[%dma_wait3A_438] : memref<7x!tpu.dma_semaphore, #tpu.memory_space<semaphore_mem>> -> memref<1x!tpu.dma_semaphore, #tpu.memory_space<semaphore_mem>>
    %dma_wait3A_450 = tpu.memref_squeeze %dma_wait3A_449 : memref<1x!tpu.dma_semaphore, #tpu.memory_space<semaphore_mem>> -> memref<!tpu.dma_semaphore, #tpu.memory_space<semaphore_mem>>
    tpu.wait_indirect_dma semaphore(%dma_wait3A_450 : memref<!tpu.dma_semaphore, #tpu.memory_space<semaphore_mem>>) src(%dma_wait3A_448 : memref<1024x16384xf32, #tpu.memory_space<hbm>>) dst(%dma_wait3A_442 : memref<1x16384xf32, #tpu.memory_space<vmem>>)
    %add3A_451 = arith.constant 1 : i32
    %add3A_452 = arith.addi %mul3A_20, %add3A_451 : i32
    %dma_start3A_453 = arith.constant 4 : i32
    %dma_start3A_454 = arith.constant 4 : i32
    %dma_start3A_455 = arith.constant 0 : i32
    %dma_start3A_456 = arith.constant 0 : i32
    %dma_start3A_457 = tpu.memref_slice %arg7[%dma_start3A_453, %dma_start3A_455, %dma_start3A_456] : memref<7x1x16384xf32, #tpu.memory_space<vmem>> -> memref<1x1x16384xf32, #tpu.memory_space<vmem>>
    %dma_start3A_458 = tpu.memref_squeeze %dma_start3A_457 : memref<1x1x16384xf32, #tpu.memory_space<vmem>> -> memref<1x16384xf32, #tpu.memory_space<vmem>>
    %dma_start3A_459 = arith.constant 0 : i32
    %dma_start3A_460 = tpu.memref_slice %arg4[%add3A_452, %dma_start3A_459] : memref<64x65536xf32, #tpu.memory_space<hbm>> -> memref<1x16384xf32, #tpu.memory_space<hbm>>
    %dma_start3A_461 = tpu.memref_slice %arg9[%dma_start3A_454] : memref<7x!tpu.dma_semaphore, #tpu.memory_space<semaphore_mem>> -> memref<1x!tpu.dma_semaphore, #tpu.memory_space<semaphore_mem>>
    %dma_start3A_462 = tpu.memref_squeeze %dma_start3A_461 : memref<1x!tpu.dma_semaphore, #tpu.memory_space<semaphore_mem>> -> memref<!tpu.dma_semaphore, #tpu.memory_space<semaphore_mem>>
    %dma_start3A_463 = arith.constant 0 : i32
    %dma_start3A_464 = tpu.memref_slice %arg4[%add3A_452, %dma_start3A_463] : memref<64x65536xf32, #tpu.memory_space<hbm>> -> memref<1x16384xf32, #tpu.memory_space<hbm>>
    %dma_start3A_465 = arith.constant 0 : i32
    %dma_start3A_466 = arith.constant 0 : i32
    %dma_start3A_467 = tpu.memref_slice %arg7[%dma_start3A_453, %dma_start3A_465, %dma_start3A_466] : memref<7x1x16384xf32, #tpu.memory_space<vmem>> -> memref<1x1x16384xf32, #tpu.memory_space<vmem>>
    %dma_start3A_468 = tpu.memref_squeeze %dma_start3A_467 : memref<1x1x16384xf32, #tpu.memory_space<vmem>> -> memref<1x16384xf32, #tpu.memory_space<vmem>>
    tpu.enqueue_dma source(%dma_start3A_468 : memref<1x16384xf32, #tpu.memory_space<vmem>>) target(%dma_start3A_464 : memref<1x16384xf32, #tpu.memory_space<hbm>>) target_semaphore(%dma_start3A_462 : memref<!tpu.dma_semaphore, #tpu.memory_space<semaphore_mem>>)
    %dma_wait3A_469 = arith.constant 1 : i32
    %dma_wait3A_470 = arith.constant 5 : i32
    %dma_wait3A_471 = arith.constant 5 : i32
    %dma_wait3A_472 = arith.constant 0 : i32
    %dma_wait3A_473 = arith.constant 0 : i32
    %dma_wait3A_474 = tpu.memref_slice %arg7[%dma_wait3A_470, %dma_wait3A_472, %dma_wait3A_473] : memref<7x1x16384xf32, #tpu.memory_space<vmem>> -> memref<1x1x16384xf32, #tpu.memory_space<vmem>>
    %dma_wait3A_475 = tpu.memref_squeeze %dma_wait3A_474 : memref<1x1x16384xf32, #tpu.memory_space<vmem>> -> memref<1x16384xf32, #tpu.memory_space<vmem>>
    %dma_wait3A_476 = arith.constant 0 : i32
    %dma_wait3A_477 = tpu.memref_slice %arg6[%dma_wait3A_469, %dma_wait3A_476] : memref<2x16xi32, #tpu.memory_space<vmem>> -> memref<1x1xi32, #tpu.memory_space<vmem>>
    %dma_wait3A_478 = tpu.memref_squeeze %dma_wait3A_477 : memref<1x1xi32, #tpu.memory_space<vmem>> -> memref<1xi32, #tpu.memory_space<vmem>>
    %dma_wait3A_479 = arith.constant 0 : i32
    %dma_wait3A_480 = arith.constant 16384 : i32
    %dma_wait3A_481 = tpu.memref_slice %arg3[%dma_wait3A_479, %dma_wait3A_480] : memref<1024x65536xf32, #tpu.memory_space<hbm>> -> memref<1024x16384xf32, #tpu.memory_space<hbm>>
    %dma_wait3A_482 = tpu.memref_slice %arg8[%dma_wait3A_471] : memref<7x!tpu.dma_semaphore, #tpu.memory_space<semaphore_mem>> -> memref<1x!tpu.dma_semaphore, #tpu.memory_space<semaphore_mem>>
    %dma_wait3A_483 = tpu.memref_squeeze %dma_wait3A_482 : memref<1x!tpu.dma_semaphore, #tpu.memory_space<semaphore_mem>> -> memref<!tpu.dma_semaphore, #tpu.memory_space<semaphore_mem>>
    tpu.wait_indirect_dma semaphore(%dma_wait3A_483 : memref<!tpu.dma_semaphore, #tpu.memory_space<semaphore_mem>>) src(%dma_wait3A_481 : memref<1024x16384xf32, #tpu.memory_space<hbm>>) dst(%dma_wait3A_475 : memref<1x16384xf32, #tpu.memory_space<vmem>>)
    %add3A_484 = arith.constant 1 : i32
    %add3A_485 = arith.addi %mul3A_20, %add3A_484 : i32
    %dma_start3A_486 = arith.constant 5 : i32
    %dma_start3A_487 = arith.constant 5 : i32
    %dma_start3A_488 = arith.constant 0 : i32
    %dma_start3A_489 = arith.constant 0 : i32
    %dma_start3A_490 = tpu.memref_slice %arg7[%dma_start3A_486, %dma_start3A_488, %dma_start3A_489] : memref<7x1x16384xf32, #tpu.memory_space<vmem>> -> memref<1x1x16384xf32, #tpu.memory_space<vmem>>
    %dma_start3A_491 = tpu.memref_squeeze %dma_start3A_490 : memref<1x1x16384xf32, #tpu.memory_space<vmem>> -> memref<1x16384xf32, #tpu.memory_space<vmem>>
    %dma_start3A_492 = arith.constant 16384 : i32
    %dma_start3A_493 = tpu.memref_slice %arg4[%add3A_485, %dma_start3A_492] : memref<64x65536xf32, #tpu.memory_space<hbm>> -> memref<1x16384xf32, #tpu.memory_space<hbm>>
    %dma_start3A_494 = tpu.memref_slice %arg9[%dma_start3A_487] : memref<7x!tpu.dma_semaphore, #tpu.memory_space<semaphore_mem>> -> memref<1x!tpu.dma_semaphore, #tpu.memory_space<semaphore_mem>>
    %dma_start3A_495 = tpu.memref_squeeze %dma_start3A_494 : memref<1x!tpu.dma_semaphore, #tpu.memory_space<semaphore_mem>> -> memref<!tpu.dma_semaphore, #tpu.memory_space<semaphore_mem>>
    %dma_start3A_496 = arith.constant 16384 : i32
    %dma_start3A_497 = tpu.memref_slice %arg4[%add3A_485, %dma_start3A_496] : memref<64x65536xf32, #tpu.memory_space<hbm>> -> memref<1x16384xf32, #tpu.memory_space<hbm>>
    %dma_start3A_498 = arith.constant 0 : i32
    %dma_start3A_499 = arith.constant 0 : i32
    %dma_start3A_500 = tpu.memref_slice %arg7[%dma_start3A_486, %dma_start3A_498, %dma_start3A_499] : memref<7x1x16384xf32, #tpu.memory_space<vmem>> -> memref<1x1x16384xf32, #tpu.memory_space<vmem>>
    %dma_start3A_501 = tpu.memref_squeeze %dma_start3A_500 : memref<1x1x16384xf32, #tpu.memory_space<vmem>> -> memref<1x16384xf32, #tpu.memory_space<vmem>>
    tpu.enqueue_dma source(%dma_start3A_501 : memref<1x16384xf32, #tpu.memory_space<vmem>>) target(%dma_start3A_497 : memref<1x16384xf32, #tpu.memory_space<hbm>>) target_semaphore(%dma_start3A_495 : memref<!tpu.dma_semaphore, #tpu.memory_space<semaphore_mem>>)
    %dma_wait3A_502 = arith.constant 1 : i32
    %dma_wait3A_503 = arith.constant 6 : i32
    %dma_wait3A_504 = arith.constant 6 : i32
    %dma_wait3A_505 = arith.constant 0 : i32
    %dma_wait3A_506 = arith.constant 0 : i32
    %dma_wait3A_507 = tpu.memref_slice %arg7[%dma_wait3A_503, %dma_wait3A_505, %dma_wait3A_506] : memref<7x1x16384xf32, #tpu.memory_space<vmem>> -> memref<1x1x16384xf32, #tpu.memory_space<vmem>>
    %dma_wait3A_508 = tpu.memref_squeeze %dma_wait3A_507 : memref<1x1x16384xf32, #tpu.memory_space<vmem>> -> memref<1x16384xf32, #tpu.memory_space<vmem>>
    %dma_wait3A_509 = arith.constant 0 : i32
    %dma_wait3A_510 = tpu.memref_slice %arg6[%dma_wait3A_502, %dma_wait3A_509] : memref<2x16xi32, #tpu.memory_space<vmem>> -> memref<1x1xi32, #tpu.memory_space<vmem>>
    %dma_wait3A_511 = tpu.memref_squeeze %dma_wait3A_510 : memref<1x1xi32, #tpu.memory_space<vmem>> -> memref<1xi32, #tpu.memory_space<vmem>>
    %dma_wait3A_512 = arith.constant 0 : i32
    %dma_wait3A_513 = arith.constant 32768 : i32
    %dma_wait3A_514 = tpu.memref_slice %arg3[%dma_wait3A_512, %dma_wait3A_513] : memref<1024x65536xf32, #tpu.memory_space<hbm>> -> memref<1024x16384xf32, #tpu.memory_space<hbm>>
    %dma_wait3A_515 = tpu.memref_slice %arg8[%dma_wait3A_504] : memref<7x!tpu.dma_semaphore, #tpu.memory_space<semaphore_mem>> -> memref<1x!tpu.dma_semaphore, #tpu.memory_space<semaphore_mem>>
    %dma_wait3A_516 = tpu.memref_squeeze %dma_wait3A_515 : memref<1x!tpu.dma_semaphore, #tpu.memory_space<semaphore_mem>> -> memref<!tpu.dma_semaphore, #tpu.memory_space<semaphore_mem>>
    tpu.wait_indirect_dma semaphore(%dma_wait3A_516 : memref<!tpu.dma_semaphore, #tpu.memory_space<semaphore_mem>>) src(%dma_wait3A_514 : memref<1024x16384xf32, #tpu.memory_space<hbm>>) dst(%dma_wait3A_508 : memref<1x16384xf32, #tpu.memory_space<vmem>>)
    %add3A_517 = arith.constant 1 : i32
    %add3A_518 = arith.addi %mul3A_20, %add3A_517 : i32
    %dma_start3A_519 = arith.constant 6 : i32
    %dma_start3A_520 = arith.constant 6 : i32
    %dma_start3A_521 = arith.constant 0 : i32
    %dma_start3A_522 = arith.constant 0 : i32
    %dma_start3A_523 = tpu.memref_slice %arg7[%dma_start3A_519, %dma_start3A_521, %dma_start3A_522] : memref<7x1x16384xf32, #tpu.memory_space<vmem>> -> memref<1x1x16384xf32, #tpu.memory_space<vmem>>
    %dma_start3A_524 = tpu.memref_squeeze %dma_start3A_523 : memref<1x1x16384xf32, #tpu.memory_space<vmem>> -> memref<1x16384xf32, #tpu.memory_space<vmem>>
    %dma_start3A_525 = arith.constant 32768 : i32
    %dma_start3A_526 = tpu.memref_slice %arg4[%add3A_518, %dma_start3A_525] : memref<64x65536xf32, #tpu.memory_space<hbm>> -> memref<1x16384xf32, #tpu.memory_space<hbm>>
    %dma_start3A_527 = tpu.memref_slice %arg9[%dma_start3A_520] : memref<7x!tpu.dma_semaphore, #tpu.memory_space<semaphore_mem>> -> memref<1x!tpu.dma_semaphore, #tpu.memory_space<semaphore_mem>>
    %dma_start3A_528 = tpu.memref_squeeze %dma_start3A_527 : memref<1x!tpu.dma_semaphore, #tpu.memory_space<semaphore_mem>> -> memref<!tpu.dma_semaphore, #tpu.memory_space<semaphore_mem>>
    %dma_start3A_529 = arith.constant 32768 : i32
    %dma_start3A_530 = tpu.memref_slice %arg4[%add3A_518, %dma_start3A_529] : memref<64x65536xf32, #tpu.memory_space<hbm>> -> memref<1x16384xf32, #tpu.memory_space<hbm>>
    %dma_start3A_531 = arith.constant 0 : i32
    %dma_start3A_532 = arith.constant 0 : i32
    %dma_start3A_533 = tpu.memref_slice %arg7[%dma_start3A_519, %dma_start3A_531, %dma_start3A_532] : memref<7x1x16384xf32, #tpu.memory_space<vmem>> -> memref<1x1x16384xf32, #tpu.memory_space<vmem>>
    %dma_start3A_534 = tpu.memref_squeeze %dma_start3A_533 : memref<1x1x16384xf32, #tpu.memory_space<vmem>> -> memref<1x16384xf32, #tpu.memory_space<vmem>>
    tpu.enqueue_dma source(%dma_start3A_534 : memref<1x16384xf32, #tpu.memory_space<vmem>>) target(%dma_start3A_530 : memref<1x16384xf32, #tpu.memory_space<hbm>>) target_semaphore(%dma_start3A_528 : memref<!tpu.dma_semaphore, #tpu.memory_space<semaphore_mem>>)
    %dma_wait3A_535 = arith.constant 1 : i32
    %dma_wait3A_536 = arith.constant 0 : i32
    %dma_wait3A_537 = arith.constant 0 : i32
    %dma_wait3A_538 = arith.constant 0 : i32
    %dma_wait3A_539 = arith.constant 0 : i32
    %dma_wait3A_540 = tpu.memref_slice %arg7[%dma_wait3A_536, %dma_wait3A_538, %dma_wait3A_539] : memref<7x1x16384xf32, #tpu.memory_space<vmem>> -> memref<1x1x16384xf32, #tpu.memory_space<vmem>>
    %dma_wait3A_541 = tpu.memref_squeeze %dma_wait3A_540 : memref<1x1x16384xf32, #tpu.memory_space<vmem>> -> memref<1x16384xf32, #tpu.memory_space<vmem>>
    %dma_wait3A_542 = arith.constant 0 : i32
    %dma_wait3A_543 = tpu.memref_slice %arg6[%dma_wait3A_535, %dma_wait3A_542] : memref<2x16xi32, #tpu.memory_space<vmem>> -> memref<1x1xi32, #tpu.memory_space<vmem>>
    %dma_wait3A_544 = tpu.memref_squeeze %dma_wait3A_543 : memref<1x1xi32, #tpu.memory_space<vmem>> -> memref<1xi32, #tpu.memory_space<vmem>>
    %dma_wait3A_545 = arith.constant 0 : i32
    %dma_wait3A_546 = arith.constant 49152 : i32
    %dma_wait3A_547 = tpu.memref_slice %arg3[%dma_wait3A_545, %dma_wait3A_546] : memref<1024x65536xf32, #tpu.memory_space<hbm>> -> memref<1024x16384xf32, #tpu.memory_space<hbm>>
    %dma_wait3A_548 = tpu.memref_slice %arg8[%dma_wait3A_537] : memref<7x!tpu.dma_semaphore, #tpu.memory_space<semaphore_mem>> -> memref<1x!tpu.dma_semaphore, #tpu.memory_space<semaphore_mem>>
    %dma_wait3A_549 = tpu.memref_squeeze %dma_wait3A_548 : memref<1x!tpu.dma_semaphore, #tpu.memory_space<semaphore_mem>> -> memref<!tpu.dma_semaphore, #tpu.memory_space<semaphore_mem>>
    tpu.wait_indirect_dma semaphore(%dma_wait3A_549 : memref<!tpu.dma_semaphore, #tpu.memory_space<semaphore_mem>>) src(%dma_wait3A_547 : memref<1024x16384xf32, #tpu.memory_space<hbm>>) dst(%dma_wait3A_541 : memref<1x16384xf32, #tpu.memory_space<vmem>>)
    %add3A_550 = arith.constant 1 : i32
    %add3A_551 = arith.addi %mul3A_20, %add3A_550 : i32
    %dma_start3A_552 = arith.constant 0 : i32
    %dma_start3A_553 = arith.constant 0 : i32
    %dma_start3A_554 = arith.constant 0 : i32
    %dma_start3A_555 = arith.constant 0 : i32
    %dma_start3A_556 = tpu.memref_slice %arg7[%dma_start3A_552, %dma_start3A_554, %dma_start3A_555] : memref<7x1x16384xf32, #tpu.memory_space<vmem>> -> memref<1x1x16384xf32, #tpu.memory_space<vmem>>
    %dma_start3A_557 = tpu.memref_squeeze %dma_start3A_556 : memref<1x1x16384xf32, #tpu.memory_space<vmem>> -> memref<1x16384xf32, #tpu.memory_space<vmem>>
    %dma_start3A_558 = arith.constant 49152 : i32
    %dma_start3A_559 = tpu.memref_slice %arg4[%add3A_551, %dma_start3A_558] : memref<64x65536xf32, #tpu.memory_space<hbm>> -> memref<1x16384xf32, #tpu.memory_space<hbm>>
    %dma_start3A_560 = tpu.memref_slice %arg9[%dma_start3A_553] : memref<7x!tpu.dma_semaphore, #tpu.memory_space<semaphore_mem>> -> memref<1x!tpu.dma_semaphore, #tpu.memory_space<semaphore_mem>>
    %dma_start3A_561 = tpu.memref_squeeze %dma_start3A_560 : memref<1x!tpu.dma_semaphore, #tpu.memory_space<semaphore_mem>> -> memref<!tpu.dma_semaphore, #tpu.memory_space<semaphore_mem>>
    %dma_start3A_562 = arith.constant 49152 : i32
    %dma_start3A_563 = tpu.memref_slice %arg4[%add3A_551, %dma_start3A_562] : memref<64x65536xf32, #tpu.memory_space<hbm>> -> memref<1x16384xf32, #tpu.memory_space<hbm>>
    %dma_start3A_564 = arith.constant 0 : i32
    %dma_start3A_565 = arith.constant 0 : i32
    %dma_start3A_566 = tpu.memref_slice %arg7[%dma_start3A_552, %dma_start3A_564, %dma_start3A_565] : memref<7x1x16384xf32, #tpu.memory_space<vmem>> -> memref<1x1x16384xf32, #tpu.memory_space<vmem>>
    %dma_start3A_567 = tpu.memref_squeeze %dma_start3A_566 : memref<1x1x16384xf32, #tpu.memory_space<vmem>> -> memref<1x16384xf32, #tpu.memory_space<vmem>>
    tpu.enqueue_dma source(%dma_start3A_567 : memref<1x16384xf32, #tpu.memory_space<vmem>>) target(%dma_start3A_563 : memref<1x16384xf32, #tpu.memory_space<hbm>>) target_semaphore(%dma_start3A_561 : memref<!tpu.dma_semaphore, #tpu.memory_space<semaphore_mem>>)
    %dma_wait3A_568 = arith.constant 1 : i32
    %dma_wait3A_569 = arith.constant 1 : i32
    %dma_wait3A_570 = arith.constant 0 : i32
    %dma_wait3A_571 = arith.constant 0 : i32
    %dma_wait3A_572 = tpu.memref_slice %arg7[%dma_wait3A_568, %dma_wait3A_570, %dma_wait3A_571] : memref<7x1x16384xf32, #tpu.memory_space<vmem>> -> memref<1x1x16384xf32, #tpu.memory_space<vmem>>
    %dma_wait3A_573 = tpu.memref_squeeze %dma_wait3A_572 : memref<1x1x16384xf32, #tpu.memory_space<vmem>> -> memref<1x16384xf32, #tpu.memory_space<vmem>>
    %dma_wait3A_574 = arith.constant 16384 : i32
    %dma_wait3A_575 = tpu.memref_slice %arg4[%add3A_353, %dma_wait3A_574] : memref<64x65536xf32, #tpu.memory_space<hbm>> -> memref<1x16384xf32, #tpu.memory_space<hbm>>
    %dma_wait3A_576 = tpu.memref_slice %arg9[%dma_wait3A_569] : memref<7x!tpu.dma_semaphore, #tpu.memory_space<semaphore_mem>> -> memref<1x!tpu.dma_semaphore, #tpu.memory_space<semaphore_mem>>
    %dma_wait3A_577 = tpu.memref_squeeze %dma_wait3A_576 : memref<1x!tpu.dma_semaphore, #tpu.memory_space<semaphore_mem>> -> memref<!tpu.dma_semaphore, #tpu.memory_space<semaphore_mem>>
    %dma_wait3A_578 = arith.constant 16384 : i32
    %dma_wait3A_579 = tpu.memref_slice %arg4[%add3A_353, %dma_wait3A_578] : memref<64x65536xf32, #tpu.memory_space<hbm>> -> memref<1x16384xf32, #tpu.memory_space<hbm>>
    %dma_wait3A_580 = arith.constant 0 : i32
    %dma_wait3A_581 = arith.constant 0 : i32
    %dma_wait3A_582 = tpu.memref_slice %arg7[%dma_wait3A_568, %dma_wait3A_580, %dma_wait3A_581] : memref<7x1x16384xf32, #tpu.memory_space<vmem>> -> memref<1x1x16384xf32, #tpu.memory_space<vmem>>
    %dma_wait3A_583 = tpu.memref_squeeze %dma_wait3A_582 : memref<1x1x16384xf32, #tpu.memory_space<vmem>> -> memref<1x16384xf32, #tpu.memory_space<vmem>>
    tpu.wait_dma2 semaphore(%dma_wait3A_577 : memref<!tpu.dma_semaphore, #tpu.memory_space<semaphore_mem>>) src(%dma_wait3A_583 : memref<1x16384xf32, #tpu.memory_space<vmem>>) dst(%dma_wait3A_579 : memref<1x16384xf32, #tpu.memory_space<hbm>>)
    %dma_wait3A_584 = arith.constant 2 : i32
    %dma_wait3A_585 = arith.constant 2 : i32
    %dma_wait3A_586 = arith.constant 0 : i32
    %dma_wait3A_587 = arith.constant 0 : i32
    %dma_wait3A_588 = tpu.memref_slice %arg7[%dma_wait3A_584, %dma_wait3A_586, %dma_wait3A_587] : memref<7x1x16384xf32, #tpu.memory_space<vmem>> -> memref<1x1x16384xf32, #tpu.memory_space<vmem>>
    %dma_wait3A_589 = tpu.memref_squeeze %dma_wait3A_588 : memref<1x1x16384xf32, #tpu.memory_space<vmem>> -> memref<1x16384xf32, #tpu.memory_space<vmem>>
    %dma_wait3A_590 = arith.constant 32768 : i32
    %dma_wait3A_591 = tpu.memref_slice %arg4[%add3A_386, %dma_wait3A_590] : memref<64x65536xf32, #tpu.memory_space<hbm>> -> memref<1x16384xf32, #tpu.memory_space<hbm>>
    %dma_wait3A_592 = tpu.memref_slice %arg9[%dma_wait3A_585] : memref<7x!tpu.dma_semaphore, #tpu.memory_space<semaphore_mem>> -> memref<1x!tpu.dma_semaphore, #tpu.memory_space<semaphore_mem>>
    %dma_wait3A_593 = tpu.memref_squeeze %dma_wait3A_592 : memref<1x!tpu.dma_semaphore, #tpu.memory_space<semaphore_mem>> -> memref<!tpu.dma_semaphore, #tpu.memory_space<semaphore_mem>>
    %dma_wait3A_594 = arith.constant 32768 : i32
    %dma_wait3A_595 = tpu.memref_slice %arg4[%add3A_386, %dma_wait3A_594] : memref<64x65536xf32, #tpu.memory_space<hbm>> -> memref<1x16384xf32, #tpu.memory_space<hbm>>
    %dma_wait3A_596 = arith.constant 0 : i32
    %dma_wait3A_597 = arith.constant 0 : i32
    %dma_wait3A_598 = tpu.memref_slice %arg7[%dma_wait3A_584, %dma_wait3A_596, %dma_wait3A_597] : memref<7x1x16384xf32, #tpu.memory_space<vmem>> -> memref<1x1x16384xf32, #tpu.memory_space<vmem>>
    %dma_wait3A_599 = tpu.memref_squeeze %dma_wait3A_598 : memref<1x1x16384xf32, #tpu.memory_space<vmem>> -> memref<1x16384xf32, #tpu.memory_space<vmem>>
    tpu.wait_dma2 semaphore(%dma_wait3A_593 : memref<!tpu.dma_semaphore, #tpu.memory_space<semaphore_mem>>) src(%dma_wait3A_599 : memref<1x16384xf32, #tpu.memory_space<vmem>>) dst(%dma_wait3A_595 : memref<1x16384xf32, #tpu.memory_space<hbm>>)
    %dma_wait3A_600 = arith.constant 3 : i32
    %dma_wait3A_601 = arith.constant 3 : i32
    %dma_wait3A_602 = arith.constant 0 : i32
    %dma_wait3A_603 = arith.constant 0 : i32
    %dma_wait3A_604 = tpu.memref_slice %arg7[%dma_wait3A_600, %dma_wait3A_602, %dma_wait3A_603] : memref<7x1x16384xf32, #tpu.memory_space<vmem>> -> memref<1x1x16384xf32, #tpu.memory_space<vmem>>
    %dma_wait3A_605 = tpu.memref_squeeze %dma_wait3A_604 : memref<1x1x16384xf32, #tpu.memory_space<vmem>> -> memref<1x16384xf32, #tpu.memory_space<vmem>>
    %dma_wait3A_606 = arith.constant 49152 : i32
    %dma_wait3A_607 = tpu.memref_slice %arg4[%add3A_419, %dma_wait3A_606] : memref<64x65536xf32, #tpu.memory_space<hbm>> -> memref<1x16384xf32, #tpu.memory_space<hbm>>
    %dma_wait3A_608 = tpu.memref_slice %arg9[%dma_wait3A_601] : memref<7x!tpu.dma_semaphore, #tpu.memory_space<semaphore_mem>> -> memref<1x!tpu.dma_semaphore, #tpu.memory_space<semaphore_mem>>
    %dma_wait3A_609 = tpu.memref_squeeze %dma_wait3A_608 : memref<1x!tpu.dma_semaphore, #tpu.memory_space<semaphore_mem>> -> memref<!tpu.dma_semaphore, #tpu.memory_space<semaphore_mem>>
    %dma_wait3A_610 = arith.constant 49152 : i32
    %dma_wait3A_611 = tpu.memref_slice %arg4[%add3A_419, %dma_wait3A_610] : memref<64x65536xf32, #tpu.memory_space<hbm>> -> memref<1x16384xf32, #tpu.memory_space<hbm>>
    %dma_wait3A_612 = arith.constant 0 : i32
    %dma_wait3A_613 = arith.constant 0 : i32
    %dma_wait3A_614 = tpu.memref_slice %arg7[%dma_wait3A_600, %dma_wait3A_612, %dma_wait3A_613] : memref<7x1x16384xf32, #tpu.memory_space<vmem>> -> memref<1x1x16384xf32, #tpu.memory_space<vmem>>
    %dma_wait3A_615 = tpu.memref_squeeze %dma_wait3A_614 : memref<1x1x16384xf32, #tpu.memory_space<vmem>> -> memref<1x16384xf32, #tpu.memory_space<vmem>>
    tpu.wait_dma2 semaphore(%dma_wait3A_609 : memref<!tpu.dma_semaphore, #tpu.memory_space<semaphore_mem>>) src(%dma_wait3A_615 : memref<1x16384xf32, #tpu.memory_space<vmem>>) dst(%dma_wait3A_611 : memref<1x16384xf32, #tpu.memory_space<hbm>>)
    %dma_wait3A_616 = arith.constant 4 : i32
    %dma_wait3A_617 = arith.constant 4 : i32
    %dma_wait3A_618 = arith.constant 0 : i32
    %dma_wait3A_619 = arith.constant 0 : i32
    %dma_wait3A_620 = tpu.memref_slice %arg7[%dma_wait3A_616, %dma_wait3A_618, %dma_wait3A_619] : memref<7x1x16384xf32, #tpu.memory_space<vmem>> -> memref<1x1x16384xf32, #tpu.memory_space<vmem>>
    %dma_wait3A_621 = tpu.memref_squeeze %dma_wait3A_620 : memref<1x1x16384xf32, #tpu.memory_space<vmem>> -> memref<1x16384xf32, #tpu.memory_space<vmem>>
    %dma_wait3A_622 = arith.constant 0 : i32
    %dma_wait3A_623 = tpu.memref_slice %arg4[%add3A_452, %dma_wait3A_622] : memref<64x65536xf32, #tpu.memory_space<hbm>> -> memref<1x16384xf32, #tpu.memory_space<hbm>>
    %dma_wait3A_624 = tpu.memref_slice %arg9[%dma_wait3A_617] : memref<7x!tpu.dma_semaphore, #tpu.memory_space<semaphore_mem>> -> memref<1x!tpu.dma_semaphore, #tpu.memory_space<semaphore_mem>>
    %dma_wait3A_625 = tpu.memref_squeeze %dma_wait3A_624 : memref<1x!tpu.dma_semaphore, #tpu.memory_space<semaphore_mem>> -> memref<!tpu.dma_semaphore, #tpu.memory_space<semaphore_mem>>
    %dma_wait3A_626 = arith.constant 0 : i32
    %dma_wait3A_627 = tpu.memref_slice %arg4[%add3A_452, %dma_wait3A_626] : memref<64x65536xf32, #tpu.memory_space<hbm>> -> memref<1x16384xf32, #tpu.memory_space<hbm>>
    %dma_wait3A_628 = arith.constant 0 : i32
    %dma_wait3A_629 = arith.constant 0 : i32
    %dma_wait3A_630 = tpu.memref_slice %arg7[%dma_wait3A_616, %dma_wait3A_628, %dma_wait3A_629] : memref<7x1x16384xf32, #tpu.memory_space<vmem>> -> memref<1x1x16384xf32, #tpu.memory_space<vmem>>
    %dma_wait3A_631 = tpu.memref_squeeze %dma_wait3A_630 : memref<1x1x16384xf32, #tpu.memory_space<vmem>> -> memref<1x16384xf32, #tpu.memory_space<vmem>>
    tpu.wait_dma2 semaphore(%dma_wait3A_625 : memref<!tpu.dma_semaphore, #tpu.memory_space<semaphore_mem>>) src(%dma_wait3A_631 : memref<1x16384xf32, #tpu.memory_space<vmem>>) dst(%dma_wait3A_627 : memref<1x16384xf32, #tpu.memory_space<hbm>>)
    %dma_wait3A_632 = arith.constant 5 : i32
    %dma_wait3A_633 = arith.constant 5 : i32
    %dma_wait3A_634 = arith.constant 0 : i32
    %dma_wait3A_635 = arith.constant 0 : i32
    %dma_wait3A_636 = tpu.memref_slice %arg7[%dma_wait3A_632, %dma_wait3A_634, %dma_wait3A_635] : memref<7x1x16384xf32, #tpu.memory_space<vmem>> -> memref<1x1x16384xf32, #tpu.memory_space<vmem>>
    %dma_wait3A_637 = tpu.memref_squeeze %dma_wait3A_636 : memref<1x1x16384xf32, #tpu.memory_space<vmem>> -> memref<1x16384xf32, #tpu.memory_space<vmem>>
    %dma_wait3A_638 = arith.constant 16384 : i32
    %dma_wait3A_639 = tpu.memref_slice %arg4[%add3A_485, %dma_wait3A_638] : memref<64x65536xf32, #tpu.memory_space<hbm>> -> memref<1x16384xf32, #tpu.memory_space<hbm>>
    %dma_wait3A_640 = tpu.memref_slice %arg9[%dma_wait3A_633] : memref<7x!tpu.dma_semaphore, #tpu.memory_space<semaphore_mem>> -> memref<1x!tpu.dma_semaphore, #tpu.memory_space<semaphore_mem>>
    %dma_wait3A_641 = tpu.memref_squeeze %dma_wait3A_640 : memref<1x!tpu.dma_semaphore, #tpu.memory_space<semaphore_mem>> -> memref<!tpu.dma_semaphore, #tpu.memory_space<semaphore_mem>>
    %dma_wait3A_642 = arith.constant 16384 : i32
    %dma_wait3A_643 = tpu.memref_slice %arg4[%add3A_485, %dma_wait3A_642] : memref<64x65536xf32, #tpu.memory_space<hbm>> -> memref<1x16384xf32, #tpu.memory_space<hbm>>
    %dma_wait3A_644 = arith.constant 0 : i32
    %dma_wait3A_645 = arith.constant 0 : i32
    %dma_wait3A_646 = tpu.memref_slice %arg7[%dma_wait3A_632, %dma_wait3A_644, %dma_wait3A_645] : memref<7x1x16384xf32, #tpu.memory_space<vmem>> -> memref<1x1x16384xf32, #tpu.memory_space<vmem>>
    %dma_wait3A_647 = tpu.memref_squeeze %dma_wait3A_646 : memref<1x1x16384xf32, #tpu.memory_space<vmem>> -> memref<1x16384xf32, #tpu.memory_space<vmem>>
    tpu.wait_dma2 semaphore(%dma_wait3A_641 : memref<!tpu.dma_semaphore, #tpu.memory_space<semaphore_mem>>) src(%dma_wait3A_647 : memref<1x16384xf32, #tpu.memory_space<vmem>>) dst(%dma_wait3A_643 : memref<1x16384xf32, #tpu.memory_space<hbm>>)
    %dma_wait3A_648 = arith.constant 6 : i32
    %dma_wait3A_649 = arith.constant 6 : i32
    %dma_wait3A_650 = arith.constant 0 : i32
    %dma_wait3A_651 = arith.constant 0 : i32
    %dma_wait3A_652 = tpu.memref_slice %arg7[%dma_wait3A_648, %dma_wait3A_650, %dma_wait3A_651] : memref<7x1x16384xf32, #tpu.memory_space<vmem>> -> memref<1x1x16384xf32, #tpu.memory_space<vmem>>
    %dma_wait3A_653 = tpu.memref_squeeze %dma_wait3A_652 : memref<1x1x16384xf32, #tpu.memory_space<vmem>> -> memref<1x16384xf32, #tpu.memory_space<vmem>>
    %dma_wait3A_654 = arith.constant 32768 : i32
    %dma_wait3A_655 = tpu.memref_slice %arg4[%add3A_518, %dma_wait3A_654] : memref<64x65536xf32, #tpu.memory_space<hbm>> -> memref<1x16384xf32, #tpu.memory_space<hbm>>
    %dma_wait3A_656 = tpu.memref_slice %arg9[%dma_wait3A_649] : memref<7x!tpu.dma_semaphore, #tpu.memory_space<semaphore_mem>> -> memref<1x!tpu.dma_semaphore, #tpu.memory_space<semaphore_mem>>
    %dma_wait3A_657 = tpu.memref_squeeze %dma_wait3A_656 : memref<1x!tpu.dma_semaphore, #tpu.memory_space<semaphore_mem>> -> memref<!tpu.dma_semaphore, #tpu.memory_space<semaphore_mem>>
    %dma_wait3A_658 = arith.constant 32768 : i32
    %dma_wait3A_659 = tpu.memref_slice %arg4[%add3A_518, %dma_wait3A_658] : memref<64x65536xf32, #tpu.memory_space<hbm>> -> memref<1x16384xf32, #tpu.memory_space<hbm>>
    %dma_wait3A_660 = arith.constant 0 : i32
    %dma_wait3A_661 = arith.constant 0 : i32
    %dma_wait3A_662 = tpu.memref_slice %arg7[%dma_wait3A_648, %dma_wait3A_660, %dma_wait3A_661] : memref<7x1x16384xf32, #tpu.memory_space<vmem>> -> memref<1x1x16384xf32, #tpu.memory_space<vmem>>
    %dma_wait3A_663 = tpu.memref_squeeze %dma_wait3A_662 : memref<1x1x16384xf32, #tpu.memory_space<vmem>> -> memref<1x16384xf32, #tpu.memory_space<vmem>>
    tpu.wait_dma2 semaphore(%dma_wait3A_657 : memref<!tpu.dma_semaphore, #tpu.memory_space<semaphore_mem>>) src(%dma_wait3A_663 : memref<1x16384xf32, #tpu.memory_space<vmem>>) dst(%dma_wait3A_659 : memref<1x16384xf32, #tpu.memory_space<hbm>>)
    %dma_wait3A_664 = arith.constant 0 : i32
    %dma_wait3A_665 = arith.constant 0 : i32
    %dma_wait3A_666 = arith.constant 0 : i32
    %dma_wait3A_667 = arith.constant 0 : i32
    %dma_wait3A_668 = tpu.memref_slice %arg7[%dma_wait3A_664, %dma_wait3A_666, %dma_wait3A_667] : memref<7x1x16384xf32, #tpu.memory_space<vmem>> -> memref<1x1x16384xf32, #tpu.memory_space<vmem>>
    %dma_wait3A_669 = tpu.memref_squeeze %dma_wait3A_668 : memref<1x1x16384xf32, #tpu.memory_space<vmem>> -> memref<1x16384xf32, #tpu.memory_space<vmem>>
    %dma_wait3A_670 = arith.constant 49152 : i32
    %dma_wait3A_671 = tpu.memref_slice %arg4[%add3A_551, %dma_wait3A_670] : memref<64x65536xf32, #tpu.memory_space<hbm>> -> memref<1x16384xf32, #tpu.memory_space<hbm>>
    %dma_wait3A_672 = tpu.memref_slice %arg9[%dma_wait3A_665] : memref<7x!tpu.dma_semaphore, #tpu.memory_space<semaphore_mem>> -> memref<1x!tpu.dma_semaphore, #tpu.memory_space<semaphore_mem>>
    %dma_wait3A_673 = tpu.memref_squeeze %dma_wait3A_672 : memref<1x!tpu.dma_semaphore, #tpu.memory_space<semaphore_mem>> -> memref<!tpu.dma_semaphore, #tpu.memory_space<semaphore_mem>>
    %dma_wait3A_674 = arith.constant 49152 : i32
    %dma_wait3A_675 = tpu.memref_slice %arg4[%add3A_551, %dma_wait3A_674] : memref<64x65536xf32, #tpu.memory_space<hbm>> -> memref<1x16384xf32, #tpu.memory_space<hbm>>
    %dma_wait3A_676 = arith.constant 0 : i32
    %dma_wait3A_677 = arith.constant 0 : i32
    %dma_wait3A_678 = tpu.memref_slice %arg7[%dma_wait3A_664, %dma_wait3A_676, %dma_wait3A_677] : memref<7x1x16384xf32, #tpu.memory_space<vmem>> -> memref<1x1x16384xf32, #tpu.memory_space<vmem>>
    %dma_wait3A_679 = tpu.memref_squeeze %dma_wait3A_678 : memref<1x1x16384xf32, #tpu.memory_space<vmem>> -> memref<1x16384xf32, #tpu.memory_space<vmem>>
    tpu.wait_dma2 semaphore(%dma_wait3A_673 : memref<!tpu.dma_semaphore, #tpu.memory_space<semaphore_mem>>) src(%dma_wait3A_679 : memref<1x16384xf32, #tpu.memory_space<vmem>>) dst(%dma_wait3A_675 : memref<1x16384xf32, #tpu.memory_space<hbm>>)
    return
  }
}

</mosaic_0001>

<sc_bundles>
// kernel: kernel.3.cloned.1.call-start
scs
__scs_entry_jumppad:
0x0: {  	(pc) =	sbr.rel $0x88, $3  }
0x1: {  	(tag) =	ssettag $0x0;
	lr =	simm.s32 $0x1  }
0x2: {  	[smem:$0x3F9F] =	sst lr;
	_ =	strace $0xD0000000  }
0x3: {  	_ = 	snop  }
0x4: {  	_ = 	snop  }
0x5: {  	_ = 	snop  }
0x6: {  	_ = 	snop  }
0x7: {  	_ = 	snop  }
__scs_overlays_trampoline_lowered:
0x8: {  	[smem:$0x3FAE] =	sst s0  }
0x9: {  	[smem:$0x3FAF] =	sst s1  }
0xa: {  	[smem:$0x3FB0] =	sst s2  }
0xb: {  	[smem:$0x3FB1] =	sst s3  }
0xc: {  	[smem:$0x3FB2] =	sst s4  }
0xd: {  	[smem:$0x3FB3] =	sst s5  }
0xe: {  	[smem:$0x3FB4] =	sst s6  }
0xf: {  	[smem:$0x3FB5] =	sst s7  }
0x10: {  	[smem:$0x3FB6] =	sst s8  }
0x11: {  	[smem:$0x3FB7] =	sst s9;
	s0 =	simm.s32 @!p0 $0x0  }
0x12: {  	s1 =	sld [smem:$0x3F9D];
	s0 =	simm.s32 @p0 $0x1  }
0x13: {  	[smem:$0x3FB8] =	sst s0;
	s0 =	simm.s32 @!p1 $0x0  }
0x14: {  	s2 =	sld [smem:$0x3F9C];
	s0 =	simm.s32 @p1 $0x1  }
0x15: {  	[smem:$0x3FB9] =	sst s0;
	s0 =	simm.s32 @!p2 $0x0  }
0x16: {  	s3 =	sld [smem:$0x3FDB];
	s0 =	simm.s32 @p2 $0x1  }
0x17: {  	s4 =	simm.s32 $0x1BF5;
	[smem:$0x3FBB] =	sst s0  }
0x18: {  	s0 =	sld [smem:$0x3F9E];
	_ =	swait.ge [sflag:s4], $0x0  }
0x19: {  	s7 =	sld [smem:$0x3F9F]  }
0x1a: {  	s8 =	sadd.s32 $0xFFFFE003, lr  }
0x1b: {  	s9 =	sadd.s32 $0xFFFFFEF7, lr;
	s5 =	simm.s32 $0xFFFFFFFF;
	p2 =	slt.u32 s8, $0xFFFFF086  }
0x1c: {  	p1 =	slt.u32 s9, $0xF7A;
	s5 =	simm.s32 @!p2 $0x0  }
0x1d: {  	s5 =	simm.s32 @p1 $0x1;
	p0 =	seq.s32 s7, s2  }
0x1e: {  	s7 =	smul.u32 @!p0 $0xF7A, s2;
	p2 =	seq.s32 @!p0 s5, $0x0  }
0x1f: {  	s9 =	smul.u32 $0xF7A, s1;
	s8 =	simm.s32 @!p0 $0x1BF5;
	p2 =	por !p2, p0  }
0x20: {  	[sflag:s8] =	ssyncset.s32 @!p0 $0xFFFFF086;
	s6 =	sadd.s32 @!p0 s3, s7;
	s7 =	simm.s32 @!p0 $0x108  }
0x21: {  	s3 =	sadd.s32 s3, s9;
	s6 =	sadd.s32 @!p0 $0x88, s6;
	s7 =	simm.s32 @p2 $0x1082  }
0x22: {  	[simem:s7], [sflag:s8] =	dma.local @!p0 [hbm:s6], $0xF7A  }
0x23: {  	s9 =	sor.u32 $0xD0000000, s2;
	s6 =	simm.s32 $0x108;
	_ =	swait.ge @!p0 [sflag:s8], $0x0  }
0x24: {  	s3 =	sadd.s32 $0x88, s3;
	s6 =	simm.s32 @!p1 $0x1082;
	[sflag:s4] =	ssyncset.s32 $0xFFFFF086  }
0x25: {  	[simem:s6], [sflag:s4] =	dma.local [hbm:s3], $0xF7A  }
0x26: {  	[smem:$0x3F9F] =	sst s1;
	(tag) =	ssettag s2;
	_ =	strace s9  }
0x27: {  	s1 =	sld [smem:$0x3FAF]  }
0x28: {  	s2 =	sld [smem:$0x3FB0]  }
0x29: {  	s4 =	sld [smem:$0x3FB2]  }
0x2a: {  	p0 =	seq.s32 s5, $0x0;
	s5 =	sld [smem:$0x3FB3]  }
0x2b: {  	s6 =	sld [smem:$0x3FB4]  }
0x2c: {  	s7 =	sld [smem:$0x3FB5]  }
0x2d: {  	s3 =	simm.s32 $0x108;
	s8 =	sld [smem:$0x3FB6]  }
0x2e: {  	s3 =	simm.s32 @!p0 $0x1082;
	s9 =	sld [smem:$0x3FB7]  }
0x2f: {  	lr =	sadd.s32 s0, s3;
	s0 =	sld [smem:$0x3FAE]  }
0x30: {  	s3 =	sld [smem:$0x3FB1]  }
0x31: {  	[smem:$0x3FBA] =	sst s10  }
0x32: {  	s10 =	sld [smem:$0x3FB8];
	_ =	sdelay $0x3  }
0x33: {  	p0 =	seq.s32 s10, $0x1;
	s10 =	sld [smem:$0x3FBA];
	_ =	sdelay $0x3  }
0x34: {  	[smem:$0x3FBA] =	sst s10  }
0x35: {  	s10 =	sld [smem:$0x3FB9];
	_ =	sdelay $0x3  }
0x36: {  	p1 =	seq.s32 s10, $0x1;
	s10 =	sld [smem:$0x3FBA];
	_ =	sdelay $0x3  }
0x37: {  	[smem:$0x3FBA] =	sst s10  }
0x38: {  	s10 =	sld [smem:$0x3FBB]  }
0x39: {  	_ = 	snop;
	(pc) =	sbr.ind lr, $3  }
0x3a: {  	_ = 	snop  }
0x3b: {  	_ = 	snop  }
0x3c: {  	p2 =	seq.s32 s10, $0x1;
	s10 =	sld [smem:$0x3FBA]  }
0x3d: {  	_ =	shalt  }
0x3e: {  	_ =	shalt  }
0x3f: {  	_ =	shalt  }
0x40: {  	_ =	shalt  }
0x41: {  	_ =	shalt  }
0x42: {  	_ =	shalt  }
0x43: {  	_ =	shalt  }
0x44: {  	_ =	shalt  }
0x45: {  	_ =	shalt  }
0x46: {  	_ =	shalt  }
0x47: {  	_ =	shalt  }
0x48: {  	_ =	shalt  }
0x49: {  	_ =	shalt  }
0x4a: {  	_ =	shalt  }
0x4b: {  	_ =	shalt  }
0x4c: {  	_ =	shalt  }
0x4d: {  	_ =	shalt  }
0x4e: {  	_ =	shalt  }
0x4f: {  	_ =	shalt  }
0x50: {  	_ =	shalt  }
0x51: {  	_ =	shalt  }
0x52: {  	_ =	shalt  }
0x53: {  	_ =	shalt  }
0x54: {  	_ =	shalt  }
0x55: {  	_ =	shalt  }
0x56: {  	_ =	shalt  }
0x57: {  	_ =	shalt  }
0x58: {  	_ =	shalt  }
0x59: {  	_ =	shalt  }
0x5a: {  	_ =	shalt  }
0x5b: {  	_ =	shalt  }
0x5c: {  	_ =	shalt  }
0x5d: {  	_ =	shalt  }
0x5e: {  	_ =	shalt  }
0x5f: {  	_ =	shalt  }
0x60: {  	_ =	shalt  }
0x61: {  	_ =	shalt  }
0x62: {  	_ =	shalt  }
0x63: {  	_ =	shalt  }
0x64: {  	_ =	shalt  }
0x65: {  	_ =	shalt  }
0x66: {  	_ =	shalt  }
0x67: {  	_ =	shalt  }
0x68: {  	_ =	shalt  }
0x69: {  	_ =	shalt  }
0x6a: {  	_ =	shalt  }
0x6b: {  	_ =	shalt  }
0x6c: {  	_ =	shalt  }
0x6d: {  	_ =	shalt  }
0x6e: {  	_ =	shalt  }
0x6f: {  	_ =	shalt  }
0x70: {  	_ =	shalt  }
0x71: {  	_ =	shalt  }
0x72: {  	_ =	shalt  }
0x73: {  	_ =	shalt  }
0x74: {  	_ =	shalt  }
0x75: {  	_ =	shalt  }
0x76: {  	_ =	shalt  }
0x77: {  	_ =	shalt  }
0x78: {  	_ =	shalt  }
0x79: {  	_ =	shalt  }
0x7a: {  	_ =	shalt  }
0x7b: {  	_ =	shalt  }
0x7c: {  	_ =	shalt  }
0x7d: {  	_ =	shalt  }
0x7e: {  	_ =	shalt  }
0x7f: {  	_ =	shalt  }
0x80: {  	_ =	shalt  }
0x81: {  	_ =	shalt  }
0x82: {  	_ =	shalt  }
0x83: {  	_ =	shalt  }
0x84: {  	_ =	shalt  }
0x85: {  	_ =	shalt  }
0x86: {  	_ =	shalt  }
0x87: {  	_ =	shalt  }
.Lfunc_end0:
.L_simem_size_0:
called_computation_lowered:
.L_overlay_start_0:
0x88: {  	s2 =	sld [smem:$0x3FD9]  }
0x89: {  	s3 =	sld [smem:$0x3FFE];
	_ =	sdelay $0x1  }
0x8a: {  	s1 =	srdreg.scid  }
0x8b: {  	s0 =	sand.u32 $0x1, s1  }
0x8c: {  	s18 =	sshll.u32 s0, $0xA;
	s2 =	sadd.s32 s3, s2  }
0x8d: {  	s2 =	sadd.s32 s2, s18  }
0x8e: {  	[smem:$0x3FC6] =	sst s2  }
0x8f: {  	_ = 	snop  }
0x90: {  	s2 =	sld [smem:$0x3FC9]  }
0x91: {  	s19 =	sld [smem:$0x3FC8]  }
0x92: {  	s4 =	sld [smem:$0x3FD0];
	(tm) =	ssettm $0x1  }
0x93: {  	s5 =	sld [smem:$0x3FFB];
	_ =	sdelay $0x3  }
0x94: {  	_ =	strace s5  }
0x95: {  	s5 =	sld [smem:$0x3FFC];
	_ =	sdelay $0x3  }
0x96: {  	_ =	strace s5  }
0x97: {  	s5 =	sld [smem:$0x3FFD];
	_ =	sdelay $0x3  }
0x98: {  	_ =	strace s5  }
0x99: {  	_ =	strace $0x8FFFFFFF  }
0x9a: {  	s20 =	sld [smem:$0x3FDB];
	_ =	sdelay $0x1  }
0x9b: {  	s6 =	simm.s32 $_scs_section_size  }
0x9c: {  	s7 =	simm.s32 $_size__tile_overlayer_lowered;
	s8 =	simm.s32 $_tile_overlayer_lowered  }
0x9d: {  	s23 =	simm.s32 $0x1BFF;
	s22 =	sshll.u32 s8, $0x1;
	s5 =	sadd.s32 s6, s20  }
0x9e: {  	s9 =	simm.s32 $0x0;
	s21 =	sshll.u32 s7, $0x1;
	s7 =	sadd.s32 s22, s5  }
0x9f: {  	[timem:s9], [sflag:s23] =	dma.local [hbm:s7], s21  }
0xa0: {  	_ =	swait.ge [sflag:s23], s21  }
0xa1: {  	s6 =	ssub.s32 $0x0, s21;
	[sflag:s23] =	ssyncset.done $0x0  }
0xa2: {  	[sflag:s23] =	ssyncadd.s32 s6;
	_ =	sdelay $0x1  }
0xa3: {  	s24 =	simm.s32 $0x1B8B  }
0xa4: {  	_ =	swait.ge [sflag:s24], $0x1  }
0xa5: {  	[sflag:s24] =	ssyncset.done $0x0  }
0xa6: {  	s25 =	simm.s32 $0x1B8E;
	[sflag:s24] =	ssyncadd.s32 $0xFFFFFFFF  }
0xa7: {  	s26 =	simm.s32 $execute0_lowered;
	[smem:$0x3FD2] =	sst s25  }
0xa8: {  	s6 =	sshll.u32 s26, $0x1;
	_ =	strace $0x80000046;
	[dreg:$0x1] =	wrdreg $0xFFFFFFFF  }
0xa9: {  	s28 =	simm.s32 $_size_execute0_lowered;
	s5 =	sadd.s32 s5, s6;
	[dreg:$0x0] =	wrdreg $0x0  }
0xaa: {  	s6 =	sshll.u32 s28, $0x1;
	[dreg:$0x2] =	wrdreg s5  }
0xab: {  	[dreg:$0x3] =	wrdreg s6  }
0xac: {  	[dreg:$0x4] =	wrdreg $0xC0  }
0xad: {  	_ =	task [dreg:s9], $0x5FFFF  }
0xae: {  	[dreg:$0x1] =	wrdreg $0xFFFFFFFF  }
0xaf: {  	[dreg:$0x0] =	wrdreg $0x60  }
0xb0: {  	[dreg:$0x2] =	wrdreg s2  }
0xb1: {  	[dreg:$0x3] =	wrdreg s19  }
0xb2: {  	[dreg:$0x4] =	wrdreg s4  }
0xb3: {  	[dreg:$0x5] =	wrdreg $0x9  }
0xb4: {  	_ =	task.clear_ibuf [dreg:s9], $0x6FFFF;
	_ =	strace $0x90000046  }
0xb5: {  	s29 =	simm.s32 $0x9;
	_ =	strace $0x80000048  }
0xb6: {  	_ =	swait.ge [sflag:s29], $0x1  }
0xb7: {  	[sflag:s29] =	ssyncadd.s32 $0xFFFFFFFF  }
0xb8: {  	_ =	strace $0x90000048  }
0xb9: {  	_ =	sfence  }
0xba: {  	s30 =	sld [smem:$0x0];
	_ =	sdelay $0x2  }
0xbb: {  	s31 =	sshll.u32 s1, $0xD;
	s1 =	sshrl.u32 s1, $0x2  }
0xbc: {  	s3 =	sand.u32 $0x4000, s31;
	s1 =	sadd.s32 s1, s30  }
0xbd: {  	s0 =	sor.u32 s3, s0;
	s1 =	sshll.u32 s1, $0x11  }
0xbe: {  	s0 =	sor.u32 s1, s0  }
0xbf: {  	s0 =	sadd.s32 $0x8F2B, s0  }
0xc0: {  	[sflag:s0] =	ssyncadd.remote.s32 $0x1  }
0xc1: {  	_ =	sfence.sel $0xFFFF  }
0xc2: {  	[dreg:$0x0] =	wrdreg $0xFFFFFFFF;
	(pc) =	sbr.abs _section_cstart, $3  }
0xc3: {  	[dreg:$0x1] =	wrdreg $0xFFFFFFFF  }
0xc4: {  	_ =	task.clear_ibuf [dreg:s9], $0x2FFFF;
	_ =	strace $0x9FFFFFFF  }
0xc5: {  	(tm) =	ssettm $0x7FFFFFFF  }
tec
execute0_lowered:
.L_overlay_start_1:
0x0: {  	(tag) =	ssettag $0x1  }
0x1: {  	s0 =	rddreg [dreg:$0x0]  }
0x2: {  	s9 =	rddreg [dreg:$0x1]  }
0x3: {  	s1 =	rddreg [dreg:$0x2];
	s15 =	simm.s32 $0x0;
	s2 =	srdreg.scid  }
0x4: {  	s7 =	stileid.u32;
	[smem:$0x7FF] =	sst s15;
	s2 =	sand.u32 $0x1, s2  }
0x5: {  	s5 =	sshll.u32 s7, $0x1;
	s6 =	sshrl.u32 s7, $0x1;
	s10 =	sadd.s32 $0x1000, s9  }
0x6: {  	s11 =	sadd.s32 $0x1800, s9;
	_ =	strace $0x80000047;
	[dreg:$0x6] =	wrdreg s10  }
0x7: {  	s7 =	sshll.u32 s7, $0xC;
	s12 =	sadd.s32 $0x2000, s9;
	[dreg:$0x7] =	wrdreg s11  }
0x8: {  	s14 =	sadd.s32 $0x2800, s9;
	s16 =	sadd.s32 $0x3000, s9;
	[dreg:$0x8] =	wrdreg s12  }
0x9: {  	s18 =	sadd.s32 $0x3800, s9;
	s19 =	sadd.s32 $0x4000, s9;
	[dreg:$0x9] =	wrdreg s14  }
0xa: {  	s3 =	sadd.s32 $0x8000, s9;
	s20 =	sadd.s32 $0xC000, s9;
	[dreg:$0xa] =	wrdreg s16  }
0xb: {  	s22 =	sadd.s32 $0x4000, s1;
	s23 =	sadd.s32 $0x8000, s1;
	[dreg:$0xb] =	wrdreg s18  }
0xc: {  	s4 =	ssub.s32 $0x2, s2;
	s2 =	sor.u32 s2, s5;
	[dreg:$0xc] =	wrdreg s19  }
0xd: {  	s29 =	sshll.u32 s6, $0xD;
	s6 =	sshll.u32 s6, $0xA;
	[dreg:$0xd] =	wrdreg s3  }
0xe: {  	[dreg:$0xe] =	wrdreg s20;
	s8 =	sshrl.u32 s4, $0x1;
	s5 =	ssub.s32 s7, s29  }
0xf: {  	s30 =	sshll.u32 s2, $0x8;
	s0 =	sadd.s32 s0, s6;
	s2 =	sshll.u32 s2, $0x11  }
0x10: {  	v0 =	vimm.s32 $0xEFCDAB89;
	v1 =	vimm.s32 $0x67452301;
	s4 =	ssub.s32 s4, s8;
	s5 =	sor.u32 s30, s5;
	[dreg:$0x4] =	wrdreg s0  }
0x11: {  	v2 =	vimm.s32 $0xDCFE98BA;
	s31 =	sand.u32 $0x300, s30;
	s8 =	sadd.s32 $0x800, s9;
	s13 =	sand.u32 $0x380000, s2  }
0x12: {  	v3 =	vimm.s32 $0x54761032;
	v4 =	vimm.s32 $0xBA98FEDC;
	v5 =	vimm.s32 $0x32107654;
	[dreg:$0x5] =	wrdreg s8;
	s17 =	sor.u32 s31, s13;
	s10 =	sor.u32 $0x80, s31  }
0x13: {  	v6 =	vimm.s32 $0xFEDCBA98;
	v7 =	vimm.s32 $0x76543210;
	v0 =	vunpack.c.l.s4.s8 v0;
	s0 =	sor.u32 s2, s31;
	s31 =	smax.u32 s4, $0x1;
	s7 =	sshrl.u32 s17, $0x3  }
0x14: {  	v1 =	vunpack.c.l.s4.s8 v1;
	v2 =	vunpack.c.l.s4.s8 v2;
	v3 =	vunpack.c.l.s4.s8 v3;
	s6 =	sor.u32 s13, s10;
	[dreg:$0x17] =	wrdreg s31;
	s21 =	sadd.s32 s1, s7  }
0x15: {  	v4 =	vunpack.c.l.s4.s8 v4;
	v5 =	vunpack.c.l.s4.s8 v5;
	v6 =	vunpack.c.l.s4.s8 v6;
	s0 =	sshrl.u32 s0, $0x3;
	s24 =	sadd.s32 s7, s22;
	[dreg:$0xf] =	wrdreg s21  }
0x16: {  	v0 =	vunpack.c.0.s8.s32 v0;
	v1 =	vunpack.c.0.s8.s32 v1;
	v2 =	vunpack.c.0.s8.s32 v2;
	s25 =	sadd.s32 s7, s23;
	s0 =	sor.u32 $0xC000, s0;
	[dreg:$0x10] =	wrdreg s24  }
0x17: {  	v3 =	vunpack.c.0.s8.s32 v3;
	v4 =	vunpack.c.0.s8.s32 v4;
	v5 =	vunpack.c.0.s8.s32 v5;
	s6 =	sshrl.u32 s6, $0x3;
	[dreg:$0x11] =	wrdreg s25;
	s0 =	sadd.s32 s1, s0  }
0x18: {  	v7 =	vunpack.c.l.s4.s8 v7;
	v6 =	vunpack.c.0.s8.s32 v6;
	v1 =	vcombine.low v1, v0;
	s2 =	sor.u32 s2, s10;
	s26 =	sadd.s32 s6, s22;
	[dreg:$0x12] =	wrdreg s0  }
0x19: {  	vm0 =	vmmov $0xffff;
	v2 =	vcombine.low v3, v2;
	v3 =	vcombine.low v5, v4;
	s2 =	sshrl.u32 s2, $0x3;
	s29 =	sadd.s32 s6, s23;
	[dreg:$0x13] =	wrdreg s26  }
0x1a: {  	v4 =	vunpack.c.0.s8.s32 v7;
	v0 =	vlaneseq.u32;
	v5 =	vand.u32 $0xF, v6;
	s28 =	sor.u32 $0xC000, s2;
	s30 =	sadd.s32 s1, s6;
	[dreg:$0x14] =	wrdreg s29  }
0x1b: {  	v6 =	vmul.u32 $0x8, v0;
	v1 =	vand.u32 $0xF, v1;
	v2 =	vand.u32 $0xF, v2;
	[dreg:$0x15] =	wrdreg s30;
	s0 =	sadd.s32 s1, s28  }
0x1c: {  	s5 =	sand.u32 $0xFFFFE300, s5;
	v3 =	vand.u32 $0xF, v3;
	v4 =	vcombine.low v5, v4;
	v5 =	vimm.s32 $0x0;
	s1 =	simm.s32 $0x0;
	[dreg:$0x16] =	wrdreg s0  }
.LBB2_1:
0x1d: {  	[dreg:$0x18] =	wrdreg s1  }
0x1e: {  	s0 =	rddreg [dreg:$0x4];
	s2 =	simm.s32 $0xF  }
0x1f: {  	[tilespmem:s15], [sflag:$0xF] =	stream.linear.gather [hbm4b:s0+s15], $0x2000, $0x38;
	[tilespmem:$0x1E100] =	vst v63  }
0x20: {  	s30 =	sand.u32 $0x1C00, s15;
	_ =	swait.ge [sflag:s2], $0x2000  }
0x21: {  	s31 =	sand.u32 $0x70, s15;
	s0 =	sadd.s32 s30, s5;
	[sflag:s2] =	ssyncset.done $0x0  }
0x22: {  	s1 =	sadd.s32 s31, s0;
	[sflag:s2] =	ssyncadd.s32 $0xFFFFE000  }
0x23: {  	v10 =	vimm.f32 $-Inf;
	v11 =	vld [tilespmem:s1+$0x0]  }
0x24: {  	v9 =	vimm.f32 $-Inf;
	v12 =	vimm.s32 $0x0;
	v8 =	vimm.s32 $0x0;
	s0 =	simm.s32 $0x10;
	s2 =	simm.s32 $0x0;
	v7 =	vld [tilespmem:s1+$0x80];
	s1 =	simm.s32 $0x80  }
.LBB2_2:
0x25: {  	s4 =	sand.u32 $0x70, s0  }
0x26: {  	s6 =	sand.u32 $0x1C00, s1;
	s7 =	smov.u32 s0;
	p0 =	sne.s32 s0, $0x3F0  }
.Ltmp0:
0x27: {  	s0 =	sadd.s32 $0x10, s0;
	s6 =	sadd.s32 s6, s5;
	(pc) =	sbr.rel @p0 .LBB2_2-.Ltmp0, $4  }
0x28: {  	s4 =	sadd.s32 s4, s6;
	v13 =	vmov v11  }
0x29: {  	v14 =	vor.u32 s2, v0;
	s2 =	smov.u32 s7;
	v11 =	vld [tilespmem:s4+$0x0];
	vm1 =	vgt.f32 v13, v10;
	vm2 =	vgt.f32 v7, v9  }
0x2a: {  	v10 =	vsel vm1, v13, v10;
	v12 =	vsel vm1, v14, v12;
	v9 =	vsel vm2, v7, v9;
	v7 =	vld [tilespmem:s4+$0x80]  }
0x2b: {  	s1 =	sadd.s32 $0x80, s1;
	v8 =	vsel vm2, v14, v8  }
0x2c: {  	_ =	sdelay $0x1  }
0x2d: {  	v13 =	vor.u32 s2, v0;
	vm1 =	vgt.f32 v11, v10  }
0x2e: {  	v10 =	vsel vm1, v11, v10;
	v54 =	vsel vm1, v13, v12  }
0x2f: {  	v55 =	vperm.xlane v10, v1;
	v14 =	vperm.xlane v54, v1;
	_ =	sdelay $0x1  }
0x30: {  	vm1 =	veq.f32 v55, v10;
	vm2 =	vlt.s32 v14, v54  }
0x31: {  	vm1 =	vmand vm1, vm2;
	vm2 =	vgt.f32 v55, v10  }
0x32: {  	vm1 =	vmor vm2, vm1  }
0x33: {  	v10 =	vsel vm1, v55, v10;
	v11 =	vsel vm1, v14, v54  }
0x34: {  	v12 =	vperm.xlane v10, v2;
	v14 =	vperm.xlane v11, v2;
	_ =	sdelay $0x1  }
0x35: {  	vm1 =	veq.f32 v12, v10;
	vm2 =	vlt.s32 v14, v11  }
0x36: {  	vm1 =	vmand vm1, vm2;
	vm2 =	vgt.f32 v12, v10  }
0x37: {  	vm1 =	vmor vm2, vm1  }
0x38: {  	v10 =	vsel vm1, v12, v10;
	v11 =	vsel vm1, v14, v11  }
0x39: {  	vm1 =	vgt.f32 v7, v9;
	v12 =	vperm.xlane v10, v3;
	v14 =	vperm.xlane v11, v3  }
0x3a: {  	v7 =	vsel vm1, v7, v9;
	v8 =	vsel vm1, v13, v8  }
0x3b: {  	v13 =	vperm.xlane v8, v1;
	vm2 =	veq.f32 v12, v10;
	vm3 =	vlt.s32 v14, v11  }
0x3c: {  	v9 =	vperm.xlane v7, v1;
	vm1 =	vgt.f32 v12, v10;
	vm2 =	vmand vm2, vm3  }
0x3d: {  	vm1 =	vmor vm1, vm2;
	vm2 =	vlt.s32 v13, v8  }
0x3e: {  	v10 =	vsel vm1, v12, v10;
	v11 =	vsel vm1, v14, v11;
	vm1 =	veq.f32 v9, v7  }
0x3f: {  	vm3 =	vgt.f32 v9, v7;
	v12 =	vperm.xlane v10, v4;
	vm1 =	vmand vm1, vm2  }
0x40: {  	v14 =	vperm.xlane v11, v4;
	vm1 =	vmor vm3, vm1  }
0x41: {  	vm2 =	veq.f32 v12, v10;
	v7 =	vsel vm1, v9, v7;
	v8 =	vsel vm1, v13, v8  }
0x42: {  	vm1 =	vlt.s32 v14, v11;
	v9 =	vperm.xlane v7, v2;
	v13 =	vperm.xlane v8, v2  }
0x43: {  	vm3 =	vgt.f32 v12, v10;
	vm1 =	vmand vm2, vm1  }
0x44: {  	vm1 =	vmor vm3, vm1;
	vm2 =	veq.f32 v9, v7;
	vm3 =	vlt.s32 v13, v8  }
0x45: {  	v56 =	vsel vm1, v14, v11;
	vm1 =	vgt.f32 v9, v7;
	vm2 =	vmand vm2, vm3  }
0x46: {  	[tilespmem:$0x2000] =	vst v56;
	vm1 =	vmor vm1, vm2  }
0x47: {  	v57 =	vld.msk [tilespmem:$0x2000], $0x1;
	v7 =	vsel vm1, v9, v7;
	v8 =	vsel vm1, v13, v8  }
0x48: {  	v58 =	vperm.xlane v7, v3;
	v59 =	vperm.xlane v8, v3;
	_ =	sdelay $0x1  }
0x49: {  	vm1 =	veq.f32 v58, v7;
	vm2 =	vlt.s32 v59, v8  }
0x4a: {  	vm3 =	vgt.f32 v58, v7;
	vm1 =	vmand vm1, vm2  }
0x4b: {  	v60 =	vshll.u32 v57, $0x9;
	vm1 =	vmor vm3, vm1  }
0x4c: {  	v9 =	vand.u32 $0x7, v57;
	v61 =	vand.u32 $0xFFFFF000, v60;
	v7 =	vsel vm1, v58, v7  }
0x4d: {  	v8 =	vsel vm1, v59, v8;
	v9 =	vor.u32 v9, v61;
	v62 =	vperm.xlane v7, v4  }
0x4e: {  	v63 =	vperm.xlane v8, v4;
	v9 =	vperm.xlane v9, v5;
	_ =	sdelay $0x1  }
0x4f: {  	vm1 =	veq.f32 v62, v7;
	vm2 =	vlt.s32 v63, v8;
	v9 =	vadd.s32 v6, v9  }
0x50: {  	vm3 =	vgt.f32 v62, v7;
	vm1 =	vmand vm1, vm2  }
0x51: {  	vm1 =	vmor vm3, vm1  }
0x52: {  	v7 =	vsel vm1, v63, v8  }
0x53: {  	s29 =	rddreg [dreg:$0x1];
	s0 =	simm.s32 $0x2100;
	[tilespmem:$0x2080] =	vst v7  }
0x54: {  	[tilespmem:s0], [sflag:$0x1] =	stream.indirect_vreg.gather [hbm4b:s29+s15], $0x80, v9, vm0, $0xb8;
	[tilespmem:$0x1E100] =	vst v63  }
0x55: {  	s22 =	rddreg [dreg:$0x5];
	s14 =	simm.s32 $0x2900  }
0x56: {  	[tilespmem:s14], [sflag:$0x1] =	stream.indirect_vreg.gather [hbm4b:s22+s15], $0x80, v9, vm0, $0xb8;
	[tilespmem:$0x1E100] =	vst v63  }
0x57: {  	s1 =	rddreg [dreg:$0x6];
	s16 =	simm.s32 $0x3100  }
0x58: {  	[tilespmem:s16], [sflag:$0x1] =	stream.indirect_vreg.gather [hbm4b:s1+s15], $0x80, v9, vm0, $0xb8;
	[tilespmem:$0x1E100] =	vst v63  }
0x59: {  	s30 =	rddreg [dreg:$0x7];
	s17 =	simm.s32 $0x3900  }
0x5a: {  	[tilespmem:s17], [sflag:$0x1] =	stream.indirect_vreg.gather [hbm4b:s30+s15], $0x80, v9, vm0, $0xb8;
	[tilespmem:$0x1E100] =	vst v63  }
0x5b: {  	s18 =	rddreg [dreg:$0x8];
	s19 =	simm.s32 $0x4100  }
0x5c: {  	[tilespmem:s19], [sflag:$0x1] =	stream.indirect_vreg.gather [hbm4b:s18+s15], $0x80, v9, vm0, $0xb8;
	[tilespmem:$0x1E100] =	vst v63  }
0x5d: {  	s20 =	simm.s32 $0x4900;
	s29 =	rddreg [dreg:$0x9]  }
0x5e: {  	[tilespmem:s20], [sflag:$0x1] =	stream.indirect_vreg.gather [hbm4b:s29+s15], $0x80, v9, vm0, $0xb8;
	[tilespmem:$0x1E100] =	vst v63  }
0x5f: {  	s21 =	rddreg [dreg:$0xa];
	s23 =	simm.s32 $0x5100  }
0x60: {  	[tilespmem:s23], [sflag:$0x1] =	stream.indirect_vreg.gather [hbm4b:s21+s15], $0x80, v9, vm0, $0xb8;
	[tilespmem:$0x1E100] =	vst v63  }
0x61: {  	s28 =	rddreg [dreg:$0xb];
	s24 =	simm.s32 $0x5900  }
0x62: {  	[tilespmem:s24], [sflag:$0x1] =	stream.indirect_vreg.gather [hbm4b:s28+s15], $0x80, v9, vm0, $0xb8;
	[tilespmem:$0x1E100] =	vst v63  }
0x63: {  	v7 =	vld.msk [tilespmem:$0x2000], $0x1;
	_ =	sdelay $0x4  }
0x64: {  	v8 =	vshll.u32 v7, $0x9  }
0x65: {  	v7 =	vand.u32 $0x7, v7;
	v8 =	vand.u32 $0xFFFFF000, v8  }
0x66: {  	v7 =	vor.u32 v7, v8  }
0x67: {  	v7 =	vperm.xlane v7, v5;
	_ =	sdelay $0x1  }
0x68: {  	v7 =	vadd.s32 v6, v7;
	_ =	sdelay $0x3  }
0x69: {  	s25 =	simm.s32 $0x6100;
	s0 =	rddreg [dreg:$0xc]  }
0x6a: {  	[tilespmem:s25], [sflag:$0x2] =	stream.indirect_vreg.gather [hbm4b:s0+s15], $0x80, v7, vm0, $0xb8;
	[tilespmem:$0x1E100] =	vst v63  }
0x6b: {  	s31 =	simm.s32 $0x6900;
	s26 =	sadd.s32 $0x800, s0  }
0x6c: {  	[tilespmem:s31], [sflag:$0x2] =	stream.indirect_vreg.gather [hbm4b:s26+s15], $0x80, v7, vm0, $0xb8;
	[tilespmem:$0x1E100] =	vst v63  }
0x6d: {  	s2 =	simm.s32 $0x7100;
	s31 =	sadd.s32 $0x1000, s0  }
0x6e: {  	[tilespmem:s2], [sflag:$0x2] =	stream.indirect_vreg.gather [hbm4b:s31+s15], $0x80, v7, vm0, $0xb8;
	[tilespmem:$0x1E100] =	vst v63  }
0x6f: {  	s3 =	simm.s32 $0x7900;
	s25 =	sadd.s32 $0x1800, s0  }
0x70: {  	[tilespmem:s3], [sflag:$0x2] =	stream.indirect_vreg.gather [hbm4b:s25+s15], $0x80, v7, vm0, $0xb8;
	[tilespmem:$0x1E100] =	vst v63  }
0x71: {  	s4 =	simm.s32 $0x8100;
	s23 =	sadd.s32 $0x2000, s0  }
0x72: {  	[tilespmem:s4], [sflag:$0x2] =	stream.indirect_vreg.gather [hbm4b:s23+s15], $0x80, v7, vm0, $0xb8;
	[tilespmem:$0x1E100] =	vst v63  }
0x73: {  	s6 =	simm.s32 $0x8900;
	s24 =	sadd.s32 $0x2800, s0  }
0x74: {  	[tilespmem:s6], [sflag:$0x2] =	stream.indirect_vreg.gather [hbm4b:s24+s15], $0x80, v7, vm0, $0xb8;
	[tilespmem:$0x1E100] =	vst v63  }
0x75: {  	s7 =	simm.s32 $0x9100;
	s13 =	sadd.s32 $0x3000, s0  }
0x76: {  	[tilespmem:s7], [sflag:$0x2] =	stream.indirect_vreg.gather [hbm4b:s13+s15], $0x80, v7, vm0, $0xb8;
	[tilespmem:$0x1E100] =	vst v63  }
0x77: {  	s8 =	simm.s32 $0x9900;
	s7 =	sadd.s32 $0x3800, s0  }
0x78: {  	[tilespmem:s8], [sflag:$0x2] =	stream.indirect_vreg.gather [hbm4b:s7+s15], $0x80, v7, vm0, $0xb8;
	[tilespmem:$0x1E100] =	vst v63  }
0x79: {  	v7 =	vld.msk [tilespmem:$0x2000], $0x1;
	_ =	sdelay $0x4  }
0x7a: {  	v8 =	vshll.u32 v7, $0x9  }
0x7b: {  	v7 =	vand.u32 $0x7, v7;
	v8 =	vand.u32 $0xFFFFF000, v8  }
0x7c: {  	v7 =	vor.u32 v7, v8  }
0x7d: {  	v7 =	vperm.xlane v7, v5;
	_ =	sdelay $0x1  }
0x7e: {  	v7 =	vadd.s32 v6, v7;
	_ =	sdelay $0x3  }
0x7f: {  	s9 =	simm.s32 $0xA100;
	s3 =	rddreg [dreg:$0xd]  }
0x80: {  	[tilespmem:s9], [sflag:$0x3] =	stream.indirect_vreg.gather [hbm4b:s3+s15], $0x80, v7, vm0, $0xb8;
	[tilespmem:$0x1E100] =	vst v63  }
0x81: {  	s10 =	simm.s32 $0xA900;
	s8 =	sadd.s32 $0x800, s3  }
0x82: {  	[tilespmem:s10], [sflag:$0x3] =	stream.indirect_vreg.gather [hbm4b:s8+s15], $0x80, v7, vm0, $0xb8;
	[tilespmem:$0x1E100] =	vst v63  }
0x83: {  	s11 =	simm.s32 $0xB100;
	s6 =	sadd.s32 $0x1000, s3  }
0x84: {  	[tilespmem:s11], [sflag:$0x3] =	stream.indirect_vreg.gather [hbm4b:s6+s15], $0x80, v7, vm0, $0xb8;
	[tilespmem:$0x1E100] =	vst v63  }
0x85: {  	s12 =	simm.s32 $0xB900;
	s10 =	sadd.s32 $0x1800, s3  }
0x86: {  	[tilespmem:s12], [sflag:$0x3] =	stream.indirect_vreg.gather [hbm4b:s10+s15], $0x80, v7, vm0, $0xb8;
	[tilespmem:$0x1E100] =	vst v63  }
0x87: {  	s14 =	simm.s32 $0xC100;
	s11 =	sadd.s32 $0x2000, s3  }
0x88: {  	[tilespmem:s14], [sflag:$0x3] =	stream.indirect_vreg.gather [hbm4b:s11+s15], $0x80, v7, vm0, $0xb8;
	[tilespmem:$0x1E100] =	vst v63  }
0x89: {  	s2 =	sadd.s32 $0x2800, s3;
	s4 =	simm.s32 $0xC900  }
0x8a: {  	[tilespmem:s4], [sflag:$0x3] =	stream.indirect_vreg.gather [hbm4b:s2+s15], $0x80, v7, vm0, $0xb8;
	[tilespmem:$0x1E100] =	vst v63  }
0x8b: {  	s16 =	simm.s32 $0xD100;
	s18 =	sadd.s32 $0x3000, s3  }
0x8c: {  	[tilespmem:s16], [sflag:$0x3] =	stream.indirect_vreg.gather [hbm4b:s18+s15], $0x80, v7, vm0, $0xb8;
	[tilespmem:$0x1E100] =	vst v63  }
0x8d: {  	s17 =	simm.s32 $0xD900;
	s20 =	sadd.s32 $0x3800, s3  }
0x8e: {  	[tilespmem:s17], [sflag:$0x3] =	stream.indirect_vreg.gather [hbm4b:s20+s15], $0x80, v7, vm0, $0xb8;
	[tilespmem:$0x1E100] =	vst v63  }
0x8f: {  	v7 =	vld.msk [tilespmem:$0x2000], $0x1;
	_ =	sdelay $0x4  }
0x90: {  	v8 =	vshll.u32 v7, $0x9  }
0x91: {  	v7 =	vand.u32 $0x7, v7;
	v8 =	vand.u32 $0xFFFFF000, v8  }
0x92: {  	v7 =	vor.u32 v7, v8  }
0x93: {  	v7 =	vperm.xlane v7, v5;
	_ =	sdelay $0x1  }
0x94: {  	v7 =	vadd.s32 v6, v7;
	_ =	sdelay $0x3  }
0x95: {  	s19 =	simm.s32 $0xE100;
	s14 =	rddreg [dreg:$0xe]  }
0x96: {  	[tilespmem:s19], [sflag:$0x4] =	stream.indirect_vreg.gather [hbm4b:s14+s15], $0x80, v7, vm0, $0xb8;
	[tilespmem:$0x1E100] =	vst v63  }
0x97: {  	s21 =	simm.s32 $0xE900;
	s9 =	sadd.s32 $0x800, s14  }
0x98: {  	[tilespmem:s21], [sflag:$0x4] =	stream.indirect_vreg.gather [hbm4b:s9+s15], $0x80, v7, vm0, $0xb8;
	[tilespmem:$0x1E100] =	vst v63  }
0x99: {  	s12 =	simm.s32 $0xF100;
	s4 =	sadd.s32 $0x1000, s14  }
0x9a: {  	[tilespmem:s12], [sflag:$0x4] =	stream.indirect_vreg.gather [hbm4b:s4+s15], $0x80, v7, vm0, $0xb8;
	[tilespmem:$0x1E100] =	vst v63  }
0x9b: {  	[dreg:$0x19] =	wrdreg s26;
	s26 =	simm.s32 $0xF900;
	s16 =	sadd.s32 $0x1800, s14  }
0x9c: {  	[tilespmem:s26], [sflag:$0x4] =	stream.indirect_vreg.gather [hbm4b:s16+s15], $0x80, v7, vm0, $0xb8;
	[tilespmem:$0x1E100] =	vst v63  }
0x9d: {  	s17 =	simm.s32 $0x10100;
	s12 =	sadd.s32 $0x2000, s14  }
0x9e: {  	[tilespmem:s17], [sflag:$0x4] =	stream.indirect_vreg.gather [hbm4b:s12+s15], $0x80, v7, vm0, $0xb8;
	[tilespmem:$0x1E100] =	vst v63  }
0x9f: {  	s19 =	simm.s32 $0x10900;
	s17 =	sadd.s32 $0x2800, s14  }
0xa0: {  	[tilespmem:s19], [sflag:$0x4] =	stream.indirect_vreg.gather [hbm4b:s17+s15], $0x80, v7, vm0, $0xb8;
	[tilespmem:$0x1E100] =	vst v63  }
0xa1: {  	s26 =	simm.s32 $0x11100;
	s19 =	sadd.s32 $0x3000, s14  }
0xa2: {  	[tilespmem:s26], [sflag:$0x4] =	stream.indirect_vreg.gather [hbm4b:s19+s15], $0x80, v7, vm0, $0xb8;
	[tilespmem:$0x1E100] =	vst v63  }
0xa3: {  	s21 =	simm.s32 $0x11900;
	s26 =	sadd.s32 $0x3800, s14  }
0xa4: {  	[tilespmem:s21], [sflag:$0x4] =	stream.indirect_vreg.gather [hbm4b:s26+s15], $0x80, v7, vm0, $0xb8;
	[tilespmem:$0x1E100] =	vst v63  }
0xa5: {  	v7 =	vld.msk [tilespmem:$0x2080], $0x1;
	_ =	sdelay $0x4  }
0xa6: {  	v8 =	vshll.u32 v7, $0x9  }
0xa7: {  	v7 =	vand.u32 $0x7, v7;
	v8 =	vand.u32 $0xFFFFF000, v8  }
0xa8: {  	v7 =	vor.u32 v7, v8  }
0xa9: {  	v7 =	vperm.xlane v7, v5;
	_ =	sdelay $0x1  }
0xaa: {  	v7 =	vadd.s32 v6, v7;
	_ =	sdelay $0x3  }
0xab: {  	s1 =	simm.s32 $0x12100;
	s21 =	rddreg [dreg:$0x1]  }
0xac: {  	[tilespmem:s1], [sflag:$0x5] =	stream.indirect_vreg.gather [hbm4b:s21+s15], $0x80, v7, vm0, $0xb8;
	[tilespmem:$0x1E100] =	vst v63  }
0xad: {  	s1 =	simm.s32 $0x12900  }
0xae: {  	[tilespmem:s1], [sflag:$0x5] =	stream.indirect_vreg.gather [hbm4b:s22+s15], $0x80, v7, vm0, $0xb8;
	[tilespmem:$0x1E100] =	vst v63  }
0xaf: {  	s22 =	simm.s32 $0x13100;
	s1 =	rddreg [dreg:$0x6]  }
0xb0: {  	[tilespmem:s22], [sflag:$0x5] =	stream.indirect_vreg.gather [hbm4b:s1+s15], $0x80, v7, vm0, $0xb8;
	[tilespmem:$0x1E100] =	vst v63  }
0xb1: {  	s1 =	simm.s32 $0x13900  }
0xb2: {  	[tilespmem:s1], [sflag:$0x5] =	stream.indirect_vreg.gather [hbm4b:s30+s15], $0x80, v7, vm0, $0xb8;
	[tilespmem:$0x1E100] =	vst v63  }
0xb3: {  	s22 =	simm.s32 $0x14100;
	s30 =	rddreg [dreg:$0x8]  }
0xb4: {  	[tilespmem:s22], [sflag:$0x5] =	stream.indirect_vreg.gather [hbm4b:s30+s15], $0x80, v7, vm0, $0xb8;
	[tilespmem:$0x1E100] =	vst v63  }
0xb5: {  	s22 =	simm.s32 $0x14900  }
0xb6: {  	[tilespmem:s22], [sflag:$0x5] =	stream.indirect_vreg.gather [hbm4b:s29+s15], $0x80, v7, vm0, $0xb8;
	[tilespmem:$0x1E100] =	vst v63  }
0xb7: {  	s30 =	rddreg [dreg:$0xa];
	s29 =	simm.s32 $0x15100  }
0xb8: {  	[tilespmem:s29], [sflag:$0x5] =	stream.indirect_vreg.gather [hbm4b:s30+s15], $0x80, v7, vm0, $0xb8;
	[tilespmem:$0x1E100] =	vst v63  }
0xb9: {  	s22 =	simm.s32 $0x15900  }
0xba: {  	[tilespmem:s22], [sflag:$0x5] =	stream.indirect_vreg.gather [hbm4b:s28+s15], $0x80, v7, vm0, $0xb8;
	[tilespmem:$0x1E100] =	vst v63  }
0xbb: {  	v7 =	vld.msk [tilespmem:$0x2080], $0x1;
	_ =	sdelay $0x4  }
0xbc: {  	v8 =	vshll.u32 v7, $0x9  }
0xbd: {  	v7 =	vand.u32 $0x7, v7;
	v8 =	vand.u32 $0xFFFFF000, v8  }
0xbe: {  	v7 =	vor.u32 v7, v8  }
0xbf: {  	v7 =	vperm.xlane v7, v5;
	_ =	sdelay $0x1  }
0xc0: {  	v7 =	vadd.s32 v6, v7;
	_ =	sdelay $0x3  }
0xc1: {  	s21 =	simm.s32 $0x16100  }
0xc2: {  	[tilespmem:s21], [sflag:$0x6] =	stream.indirect_vreg.gather [hbm4b:s0+s15], $0x80, v7, vm0, $0xb8;
	[tilespmem:$0x1E100] =	vst v63  }
0xc3: {  	s29 =	rddreg [dreg:$0x19];
	s28 =	simm.s32 $0x16900  }
0xc4: {  	[tilespmem:s28], [sflag:$0x6] =	stream.indirect_vreg.gather [hbm4b:s29+s15], $0x80, v7, vm0, $0xb8;
	[tilespmem:$0x1E100] =	vst v63  }
0xc5: {  	s30 =	simm.s32 $0x17100  }
0xc6: {  	[tilespmem:s30], [sflag:$0x6] =	stream.indirect_vreg.gather [hbm4b:s31+s15], $0x80, v7, vm0, $0xb8;
	[tilespmem:$0x1E100] =	vst v63  }
0xc7: {  	s1 =	simm.s32 $0x17900  }
0xc8: {  	[tilespmem:s1], [sflag:$0x6] =	stream.indirect_vreg.gather [hbm4b:s25+s15], $0x80, v7, vm0, $0xb8;
	[tilespmem:$0x1E100] =	vst v63  }
0xc9: {  	s22 =	simm.s32 $0x18100  }
0xca: {  	[tilespmem:s22], [sflag:$0x6] =	stream.indirect_vreg.gather [hbm4b:s23+s15], $0x80, v7, vm0, $0xb8;
	[tilespmem:$0x1E100] =	vst v63  }
0xcb: {  	s25 =	simm.s32 $0x18900  }
0xcc: {  	[tilespmem:s25], [sflag:$0x6] =	stream.indirect_vreg.gather [hbm4b:s24+s15], $0x80, v7, vm0, $0xb8;
	[tilespmem:$0x1E100] =	vst v63  }
0xcd: {  	s28 =	simm.s32 $0x19100  }
0xce: {  	[tilespmem:s28], [sflag:$0x6] =	stream.indirect_vreg.gather [hbm4b:s13+s15], $0x80, v7, vm0, $0xb8;
	[tilespmem:$0x1E100] =	vst v63  }
0xcf: {  	s29 =	simm.s32 $0x19900  }
0xd0: {  	[tilespmem:s29], [sflag:$0x6] =	stream.indirect_vreg.gather [hbm4b:s7+s15], $0x80, v7, vm0, $0xb8;
	[tilespmem:$0x1E100] =	vst v63  }
0xd1: {  	v7 =	vld.msk [tilespmem:$0x2080], $0x1;
	_ =	sdelay $0x4  }
0xd2: {  	v8 =	vshll.u32 v7, $0x9  }
0xd3: {  	v7 =	vand.u32 $0x7, v7;
	v8 =	vand.u32 $0xFFFFF000, v8  }
0xd4: {  	v7 =	vor.u32 v7, v8  }
0xd5: {  	v7 =	vperm.xlane v7, v5;
	_ =	sdelay $0x1  }
0xd6: {  	v7 =	vadd.s32 v6, v7;
	_ =	sdelay $0x3  }
0xd7: {  	s13 =	simm.s32 $0x1A100  }
0xd8: {  	[tilespmem:s13], [sflag:$0x7] =	stream.indirect_vreg.gather [hbm4b:s3+s15], $0x80, v7, vm0, $0xb8;
	[tilespmem:$0x1E100] =	vst v63  }
0xd9: {  	s30 =	simm.s32 $0x1A900  }
0xda: {  	[tilespmem:s30], [sflag:$0x7] =	stream.indirect_vreg.gather [hbm4b:s8+s15], $0x80, v7, vm0, $0xb8;
	[tilespmem:$0x1E100] =	vst v63  }
0xdb: {  	s31 =	simm.s32 $0x1B100  }
0xdc: {  	[tilespmem:s31], [sflag:$0x7] =	stream.indirect_vreg.gather [hbm4b:s6+s15], $0x80, v7, vm0, $0xb8;
	[tilespmem:$0x1E100] =	vst v63  }
0xdd: {  	s1 =	simm.s32 $0x1B900  }
0xde: {  	[tilespmem:s1], [sflag:$0x7] =	stream.indirect_vreg.gather [hbm4b:s10+s15], $0x80, v7, vm0, $0xb8;
	[tilespmem:$0x1E100] =	vst v63  }
0xdf: {  	s3 =	simm.s32 $0x1C100  }
0xe0: {  	[tilespmem:s3], [sflag:$0x7] =	stream.indirect_vreg.gather [hbm4b:s11+s15], $0x80, v7, vm0, $0xb8;
	[tilespmem:$0x1E100] =	vst v63  }
0xe1: {  	s6 =	simm.s32 $0x1C900  }
0xe2: {  	[tilespmem:s6], [sflag:$0x7] =	stream.indirect_vreg.gather [hbm4b:s2+s15], $0x80, v7, vm0, $0xb8;
	[tilespmem:$0x1E100] =	vst v63  }
0xe3: {  	s7 =	simm.s32 $0x1D100  }
0xe4: {  	[tilespmem:s7], [sflag:$0x7] =	stream.indirect_vreg.gather [hbm4b:s18+s15], $0x80, v7, vm0, $0xb8;
	[tilespmem:$0x1E100] =	vst v63  }
0xe5: {  	s8 =	simm.s32 $0x1D900;
	s1 =	simm.s32 $0x1  }
0xe6: {  	[tilespmem:s8], [sflag:$0x7] =	stream.indirect_vreg.gather [hbm4b:s20+s15], $0x80, v7, vm0, $0xb8;
	[tilespmem:$0x1E100] =	vst v63  }
0xe7: {  	s3 =	simm.s32 $0x400;
	_ =	swait.ge [sflag:s1], $0x4000  }
0xe8: {  	s11 =	simm.s32 $0x2100;
	s2 =	simm.s32 $0x80;
	[sflag:s1] =	ssyncset.done $0x0  }
0xe9: {  	s7 =	simm.s32 $0x8;
	s10 =	rddreg [dreg:$0xf];
	[sflag:s1] =	ssyncadd.s32 $0xFFFFC000  }
0xea: {  	[hbm4b:s10+s2] =	stream.strided.scatter [tilespmem:s11], [sflag:$0x8], $0x4000, s3, s2, $0x38;
	[tilespmem:$0x1E100] =	vst v63  }
0xeb: {  	_ =	swait.ge [sflag:s7], $0x4000  }
0xec: {  	[sflag:s7] =	ssyncset.done $0x0  }
0xed: {  	[sflag:s7] =	ssyncadd.s32 $0xFFFFC000  }
0xee: {  	v7 =	vld.msk [tilespmem:$0x2080], $0x1;
	_ =	sdelay $0x4  }
0xef: {  	v8 =	vshll.u32 v7, $0x9  }
0xf0: {  	v7 =	vand.u32 $0x7, v7;
	v8 =	vand.u32 $0xFFFFF000, v8  }
0xf1: {  	v7 =	vor.u32 v7, v8  }
0xf2: {  	v7 =	vperm.xlane v7, v5;
	_ =	sdelay $0x1  }
0xf3: {  	v7 =	vadd.s32 v6, v7;
	_ =	sdelay $0x4  }
0xf4: {  	[tilespmem:s11], [sflag:$0x1] =	stream.indirect_vreg.gather [hbm4b:s14+s15], $0x80, v7, vm0, $0xb8;
	[tilespmem:$0x1E100] =	vst v63  }
0xf5: {  	s18 =	simm.s32 $0x2900  }
0xf6: {  	[tilespmem:s18], [sflag:$0x1] =	stream.indirect_vreg.gather [hbm4b:s9+s15], $0x80, v7, vm0, $0xb8;
	[tilespmem:$0x1E100] =	vst v63  }
0xf7: {  	s20 =	simm.s32 $0x3100  }
0xf8: {  	[tilespmem:s20], [sflag:$0x1] =	stream.indirect_vreg.gather [hbm4b:s4+s15], $0x80, v7, vm0, $0xb8;
	[tilespmem:$0x1E100] =	vst v63  }
0xf9: {  	s22 =	simm.s32 $0x3900  }
0xfa: {  	[tilespmem:s22], [sflag:$0x1] =	stream.indirect_vreg.gather [hbm4b:s16+s15], $0x80, v7, vm0, $0xb8;
	[tilespmem:$0x1E100] =	vst v63  }
0xfb: {  	s23 =	simm.s32 $0x4100  }
0xfc: {  	[tilespmem:s23], [sflag:$0x1] =	stream.indirect_vreg.gather [hbm4b:s12+s15], $0x80, v7, vm0, $0xb8;
	[tilespmem:$0x1E100] =	vst v63  }
0xfd: {  	s24 =	simm.s32 $0x4900  }
0xfe: {  	[tilespmem:s24], [sflag:$0x1] =	stream.indirect_vreg.gather [hbm4b:s17+s15], $0x80, v7, vm0, $0xb8;
	[tilespmem:$0x1E100] =	vst v63  }
0xff: {  	s25 =	simm.s32 $0x5100  }
0x100: {  	[tilespmem:s25], [sflag:$0x1] =	stream.indirect_vreg.gather [hbm4b:s19+s15], $0x80, v7, vm0, $0xb8;
	[tilespmem:$0x1E100] =	vst v63  }
0x101: {  	s28 =	simm.s32 $0x5900;
	s29 =	simm.s32 $0x2  }
0x102: {  	[tilespmem:s28], [sflag:$0x1] =	stream.indirect_vreg.gather [hbm4b:s26+s15], $0x80, v7, vm0, $0xb8;
	[tilespmem:$0x1E100] =	vst v63  }
0x103: {  	_ =	swait.ge [sflag:s29], $0x4000  }
0x104: {  	s31 =	simm.s32 $0x6100;
	[sflag:s29] =	ssyncset.done $0x0  }
0x105: {  	s4 =	simm.s32 $0x3;
	s30 =	rddreg [dreg:$0x10];
	[sflag:s29] =	ssyncadd.s32 $0xFFFFC000  }
0x106: {  	[hbm4b:s30+s2] =	stream.strided.scatter [tilespmem:s31], [sflag:$0x9], $0x4000, s3, s2, $0x38;
	[tilespmem:$0x1E100] =	vst v63  }
0x107: {  	_ =	swait.ge [sflag:s4], $0x4000  }
0x108: {  	s10 =	simm.s32 $0x4;
	[sflag:s4] =	ssyncset.done $0x0  }
0x109: {  	s9 =	simm.s32 $0xA100;
	s6 =	rddreg [dreg:$0x11];
	[sflag:s4] =	ssyncadd.s32 $0xFFFFC000  }
0x10a: {  	[hbm4b:s6+s2] =	stream.strided.scatter [tilespmem:s9], [sflag:$0xA], $0x4000, s3, s2, $0x38;
	[tilespmem:$0x1E100] =	vst v63  }
0x10b: {  	_ =	swait.ge [sflag:s10], $0x4000  }
0x10c: {  	s14 =	simm.s32 $0x5;
	[sflag:s10] =	ssyncset.done $0x0  }
0x10d: {  	s12 =	simm.s32 $0xE100;
	s11 =	rddreg [dreg:$0x12];
	[sflag:s10] =	ssyncadd.s32 $0xFFFFC000  }
0x10e: {  	[hbm4b:s11+s2] =	stream.strided.scatter [tilespmem:s12], [sflag:$0xB], $0x4000, s3, s2, $0x38;
	[tilespmem:$0x1E100] =	vst v63  }
0x10f: {  	_ =	swait.ge [sflag:s14], $0x4000  }
0x110: {  	s18 =	simm.s32 $0x6;
	[sflag:s14] =	ssyncset.done $0x0  }
0x111: {  	s17 =	simm.s32 $0x12100;
	s16 =	rddreg [dreg:$0x15];
	[sflag:s14] =	ssyncadd.s32 $0xFFFFC000  }
0x112: {  	[hbm4b:s16+s2] =	stream.strided.scatter [tilespmem:s17], [sflag:$0xC], $0x4000, s3, s2, $0x38;
	[tilespmem:$0x1E100] =	vst v63  }
0x113: {  	_ =	swait.ge [sflag:s18], $0x4000  }
0x114: {  	[sflag:s18] =	ssyncset.done $0x0  }
0x115: {  	s20 =	simm.s32 $0x7;
	s19 =	rddreg [dreg:$0x13];
	[sflag:s18] =	ssyncadd.s32 $0xFFFFC000  }
0x116: {  	[hbm4b:s19+s2] =	stream.strided.scatter [tilespmem:s21], [sflag:$0xD], $0x4000, s3, s2, $0x38;
	[tilespmem:$0x1E100] =	vst v63  }
0x117: {  	_ =	swait.ge [sflag:s20], $0x4000  }
0x118: {  	[sflag:s20] =	ssyncset.done $0x0  }
0x119: {  	s21 =	rddreg [dreg:$0x14];
	[sflag:s20] =	ssyncadd.s32 $0xFFFFC000  }
0x11a: {  	[hbm4b:s21+s2] =	stream.strided.scatter [tilespmem:s13], [sflag:$0xE], $0x4000, s3, s2, $0x38;
	[tilespmem:$0x1E100] =	vst v63  }
0x11b: {  	_ =	swait.ge [sflag:s1], $0x4000  }
0x11c: {  	s8 =	simm.s32 $0x2100;
	[sflag:s1] =	ssyncset.done $0x0  }
0x11d: {  	s23 =	simm.s32 $0x9;
	s22 =	rddreg [dreg:$0x16];
	[sflag:s1] =	ssyncadd.s32 $0xFFFFC000  }
0x11e: {  	[hbm4b:s22+s2] =	stream.strided.scatter [tilespmem:s8], [sflag:$0x8], $0x4000, s3, s2, $0x38;
	[tilespmem:$0x1E100] =	vst v63  }
0x11f: {  	_ =	swait.ge [sflag:s23], $0x4000  }
0x120: {  	[sflag:s23] =	ssyncset.done $0x0  }
0x121: {  	s24 =	simm.s32 $0xA;
	[sflag:s23] =	ssyncadd.s32 $0xFFFFC000  }
0x122: {  	_ =	swait.ge [sflag:s24], $0x4000  }
0x123: {  	[sflag:s24] =	ssyncset.done $0x0  }
0x124: {  	s25 =	simm.s32 $0xB;
	[sflag:s24] =	ssyncadd.s32 $0xFFFFC000  }
0x125: {  	_ =	swait.ge [sflag:s25], $0x4000  }
0x126: {  	[sflag:s25] =	ssyncset.done $0x0  }
0x127: {  	s26 =	simm.s32 $0xC;
	[sflag:s25] =	ssyncadd.s32 $0xFFFFC000  }
0x128: {  	_ =	swait.ge [sflag:s26], $0x4000  }
0x129: {  	[sflag:s26] =	ssyncset.done $0x0  }
0x12a: {  	s28 =	simm.s32 $0xD;
	[sflag:s26] =	ssyncadd.s32 $0xFFFFC000  }
0x12b: {  	_ =	swait.ge [sflag:s28], $0x4000  }
0x12c: {  	[sflag:s28] =	ssyncset.done $0x0  }
0x12d: {  	s29 =	simm.s32 $0xE;
	[sflag:s28] =	ssyncadd.s32 $0xFFFFC000  }
0x12e: {  	_ =	swait.ge [sflag:s29], $0x4000  }
0x12f: {  	[sflag:s29] =	ssyncset.done $0x0  }
0x130: {  	[sflag:s29] =	ssyncadd.s32 $0xFFFFC000  }
0x131: {  	_ =	swait.ge [sflag:s7], $0x4000  }
0x132: {  	s30 =	rddreg [dreg:$0x18]  }
0x133: {  	s31 =	rddreg [dreg:$0x17];
	s1 =	sadd.s32 $0x1, s30  }
0x134: {  	p0 =	sne.s32 s1, s31  }
.Ltmp1:
0x135: {  	_ = 	snop;
	(pc) =	sbr.rel @p0 .LBB2_1-.Ltmp1, $3  }
0x136: {  	_ =	sdelay $0x1  }
0x137: {  	[sflag:s7] =	ssyncset.done $0x0  }
0x138: {  	[sflag:s7] =	ssyncadd.s32 $0xFFFFC000  }
0x139: {  	_ =	sfence.sel $0x180000  }
0x13a: {  	[bflag:$0x0] =	sbarrier.arrive $0xFFFF  }
0x13b: {  	_ =	strace $0x90000047  }
0x13c: {  	s0 =	stileid.u32;
	[bflag:$0x2] =	sbarrier.arrive $0xFFFF  }
0x13d: {  	p0 =	sne.s32 s0, $0x0;
	s0 =	rddreg [dreg:$0x3]  }
0x13e: {  	s0 =	sadd.s32 @!p0 $0x100000, s0  }
0x13f: {  	[sflag:s0] =	ssyncadd.tile.s32 @!p0 $0x1;
	_ =	shalt  }
.Lfunc_end2:
_tile_overlayer_lowered:
.L_overlay_start_2:
0x140: {  	(tag) =	ssettag $0x2  }
0x141: {  	s0 =	rddreg [dreg:$0x0];
	s2 =	stileid.u32  }
0x142: {  	s1 =	rddreg [dreg:$0x1];
	p0 =	sne.s32 s2, $0x0  }
0x143: {  	s3 =	rddreg [dreg:$0x2];
	[bflag:$0x3] =	sbarrier.arrive $0xFFFF;
	s2 =	simm.s32 @!p0 $0x1C0F  }
0x144: {  	[timem:s3], [sflag:s2] =	dma.local @!p0 [hbm:s0], s1  }
0x145: {  	s0 =	simm.s32 @!p0 $0xF  }
0x146: {  	_ =	swait.ge @!p0 [sflag:s0], s1  }
0x147: {  	s1 =	ssub.s32 @!p0 $0x0, s1;
	[sflag:s0] =	ssyncset.done @!p0 $0x0  }
0x148: {  	[sflag:s0] =	ssyncadd.s32 @!p0 s1  }
0x149: {  	[bflag:$0x3] =	sbarrier.arrive $0xFFFF  }
0x14a: {  	_ =	shalt  }

</sc_bundles>
